<compile_context>
chip_gen: v7x
topology: tpu7x:2x2x1
jax: 0.10.2.dev20260603
libtpu: 0.0.44.dev20260713+nightly
codegen_flags: <defaults>
</compile_context>

<pallas_src>
import jax
import jax.numpy as jnp
from jax import lax
from jax.experimental import pallas as pl
from jax.experimental.pallas import tpu as pltpu
from jax.experimental.pallas import tpu_sc as plsc

N = 10000
R = 64
NB = 4
D = 128
NC = 2
NS = 16
NW = NC * NS
CH = 128
NBUF = 2
DEGW = 128
NPAD = 10240
RPT = NPAD // NS


def _w_table(comp, basis):
    bn = 2000

    def body(comp_ref, basis_ref, out_ref):
        r = pl.program_id(1)
        acc = basis_ref[0] * comp_ref[r, 0]
        for b in range(1, NB):
            acc = acc + basis_ref[b] * comp_ref[r, b]
        out_ref[0] = acc

    w3 = pl.pallas_call(
        body,
        grid=(N // bn, R),
        in_specs=[
            pl.BlockSpec(memory_space=pltpu.SMEM),
            pl.BlockSpec((NB, bn, D), lambda i, r: (0, i, 0)),
        ],
        out_specs=pl.BlockSpec((1, bn, D), lambda i, r: (r, i, 0)),
        out_shape=jax.ShapeDtypeStruct((R, N, D), jnp.float32),
    )(comp, basis)
    return w3.reshape(R * N, D)


def _sc_agg_body(src_h, typ_h, dst_h, w_h, za_h,
                 agg_o,
                 dst2, idx2, rows, agg_s, sems):
    c = lax.axis_index("c")
    s = lax.axis_index("s")
    w = c * NS + s
    nchunk = dst2.shape[0]
    nring = nchunk // NBUF

    pltpu.sync_copy(za_h.at[pl.ds(s * RPT, RPT)], agg_s.at[pl.ds(s * RPT, RPT)])

    pltpu.sync_copy(src_h.at[w], idx2)
    pltpu.sync_copy(typ_h.at[w], dst2)

    def idx_outer(j, carry):
        def idx_inner(k, carry2):
            sl = pl.ds(k * 16, 16)
            idx2[j, sl] = dst2[j, sl] * N + idx2[j, sl]
            return carry2
        return lax.fori_loop(0, CH // 16, idx_inner, carry)

    lax.fori_loop(0, nchunk, idx_outer, 0)

    pltpu.sync_copy(dst_h.at[w], dst2)

    plsc.subcore_barrier()

    def group(t, carry):
        j0 = t * NBUF
        handles = [
            pltpu.async_copy(w_h.at[idx2.at[j0 + b]], rows.at[b], sems.at[b])
            for b in range(NBUF)
        ]
        for b in range(NBUF):
            handles[b].wait()
            pltpu.sync_copy(rows.at[b], agg_s.at[dst2.at[j0 + b]], add=True)
        return carry

    lax.fori_loop(0, nring, group, 0)

    plsc.subcore_barrier()

    pltpu.sync_copy(agg_s.at[pl.ds(s * RPT, RPT)],
                    agg_o.at[c, pl.ds(s * RPT, RPT)])


def _sc_deg_body(dst_h, zd_h, ones_h,
                 deg_o,
                 dst2, ones_v, deg_s):
    c = lax.axis_index("c")
    s = lax.axis_index("s")
    w = c * NS + s
    nchunk = dst2.shape[0]

    pltpu.sync_copy(zd_h.at[pl.ds(s * RPT, RPT)], deg_s.at[pl.ds(s * RPT, RPT)])
    pltpu.sync_copy(dst_h.at[w], dst2)
    pltpu.sync_copy(ones_h, ones_v)

    plsc.subcore_barrier()

    def chunk(j, carry):
        pltpu.sync_copy(ones_v, deg_s.at[dst2.at[j]], add=True)
        return carry

    lax.fori_loop(0, nchunk, chunk, 0)

    plsc.subcore_barrier()

    pltpu.sync_copy(deg_s.at[pl.ds(s * RPT, RPT)],
                    deg_o.at[c, pl.ds(s * RPT, RPT)])


def _combine_body(agg_ref, deg_ref, root_ref, bias_ref, out_ref):
    a = agg_ref[0] + agg_ref[1]
    d = deg_ref[0] + deg_ref[1]
    dcol = d[:, 0:1]
    out_ref[...] = a / jnp.maximum(dcol, 1.0) + root_ref[...] + bias_ref[...]


def kernel(edge_index, edge_type, basis, comp, root, bias):
    e = edge_index.shape[1]
    src = edge_index[0].astype(jnp.int32)
    dst = edge_index[1].astype(jnp.int32)
    typ = edge_type.astype(jnp.int32)

    grain = NW * CH * NBUF
    epad = ((e + grain - 1) // grain) * grain
    nchunk = epad // (NW * CH)
    pad = epad - e
    src_p = jnp.concatenate([src, jnp.zeros((pad,), jnp.int32)]).reshape(NW, nchunk, CH)
    typ_p = jnp.concatenate([typ, jnp.zeros((pad,), jnp.int32)]).reshape(NW, nchunk, CH)
    dst_p = jnp.concatenate([dst, jnp.full((pad,), N, jnp.int32)]).reshape(NW, nchunk, CH)

    zer_agg = jnp.zeros((NPAD, D), jnp.float32)
    zer_deg = jnp.zeros((NPAD, DEGW), jnp.float32)
    ones_c = jnp.ones((CH, DEGW), jnp.float32)

    mesh = plsc.VectorSubcoreMesh(core_axis_name="c", subcore_axis_name="s")

    deg2 = pl.kernel(
        _sc_deg_body,
        out_type=jax.ShapeDtypeStruct((NC, NPAD, DEGW), jnp.float32),
        mesh=mesh,
        scratch_types=[
            pltpu.VMEM((nchunk, CH), jnp.int32),
            pltpu.VMEM((CH, DEGW), jnp.float32),
            pltpu.VMEM_SHARED((NPAD, DEGW), jnp.float32),
        ],
    )(dst_p, zer_deg, ones_c)

    wtab = _w_table(comp, basis)

    agg2 = pl.kernel(
        _sc_agg_body,
        out_type=jax.ShapeDtypeStruct((NC, NPAD, D), jnp.float32),
        mesh=mesh,
        scratch_types=[
            pltpu.VMEM((nchunk, CH), jnp.int32),
            pltpu.VMEM((nchunk, CH), jnp.int32),
            pltpu.VMEM((NBUF, CH, D), jnp.float32),
            pltpu.VMEM_SHARED((NPAD, D), jnp.float32),
            pltpu.SemaphoreType.DMA((NBUF,)),
        ],
    )(src_p, typ_p, dst_p, wtab, zer_agg)

    root_p = jnp.pad(root, ((0, NPAD - N), (0, 0)))
    bu = 512
    out = pl.pallas_call(
        _combine_body,
        grid=(NPAD // bu,),
        in_specs=[
            pl.BlockSpec((NC, bu, D), lambda i: (0, i, 0)),
            pl.BlockSpec((NC, bu, DEGW), lambda i: (0, i, 0)),
            pl.BlockSpec((bu, D), lambda i: (i, 0)),
            pl.BlockSpec((1, D), lambda i: (0, 0)),
        ],
        out_specs=pl.BlockSpec((bu, D), lambda i: (i, 0)),
        out_shape=jax.ShapeDtypeStruct((NPAD, D), jnp.float32),
    )(agg2, deg2, root_p, bias.reshape(1, D))
    return out[:N]

# --- scband reference (transcript-rebuilt; emitter-appended) ---
"""Pipeline reference for scband-entity-relationship-graph-1821066134235 (READ-ONLY COPY).

The authoritative reference and input builder live on the scoring server;
editing this copy changes nothing except your own understanding.
"""

import jax, jax.numpy as jnp
import numpy as np

N_ENTITY = 10000
N_REL = 64
NUM_BASES = 4
D = 128
E = 160000


def setup_inputs(seed: int = 0) -> dict:
    key = jax.random.key(seed)
    ks = jax.random.split(key, 6)
    edge_index = jax.random.randint(ks[0], (2, E), 0, N_ENTITY)
    edge_type = jax.random.randint(ks[1], (E,), 0, N_REL)
    # RGCNConv basis-decomposition parameters with x=None (identity features):
    # per-relation weight W_r = sum_b comp[r, b] * basis[b]; message for edge e is W_{type(e)}[src(e)].
    basis = jax.random.normal(ks[2], (NUM_BASES, N_ENTITY, D), dtype=jnp.float32) * 0.02
    comp = jax.random.normal(ks[3], (N_REL, NUM_BASES), dtype=jnp.float32) * 0.1
    root = jax.random.normal(ks[4], (N_ENTITY, D), dtype=jnp.float32) * 0.02
    bias = jnp.zeros((D,), dtype=jnp.float32)
    return {"edge_index": edge_index, "edge_type": edge_type, "basis": basis, "comp": comp, "root": root, "bias": bias}


def reference(edge_index, edge_type, basis, comp, root, bias):
    # Faithful RGCNConv(n_entity, kg_emb_dim, n_relation, num_bases) forward with x=None
    # (node features are one-hot, so weight lookup == row gather), mean aggregation,
    # root (self) embedding and bias, as called in _get_kg_user_rep / get_all_embeddings.
    src = edge_index[0]
    dst = edge_index[1]
    coef = jnp.take(comp, edge_type, axis=0)  # [E, num_bases]
    msg = jnp.zeros((src.shape[0], basis.shape[-1]), dtype=basis.dtype)
    for b in range(basis.shape[0]):
        # gather basis rows at source nodes, weighted by per-edge relation coefficient
        msg = msg + coef[:, b][:, None] * jnp.take(basis[b], src, axis=0)
    agg = jax.ops.segment_sum(msg, dst, num_segments=root.shape[0])
    deg = jax.ops.segment_sum(jnp.ones((dst.shape[0],), dtype=msg.dtype), dst, num_segments=root.shape[0])
    agg = agg / jnp.maximum(deg, 1.0)[:, None]
    out = agg + root + bias[None, :]
    return out

if __name__ == "__main__":
    import jax
    _d = setup_inputs()
    print(jax.jit(kernel)(*tuple(_d.values())))

</pallas_src>

<mosaic_0001>
#map = affine_map<(d0, d1) -> (0, 0, 0)>
#map1 = affine_map<(d0, d1) -> (0, 0)>
module attributes {stable_mosaic.version = 14 : i64} {
  func.func @_sc_agg_body(%arg0: i32, %arg1: i32, %arg2: memref<32x40x128xi32, #tpu.memory_space<hbm>>, %arg3: memref<32x40x128xi32, #tpu.memory_space<hbm>>, %arg4: memref<32x40x128xi32, #tpu.memory_space<hbm>>, %arg5: memref<640000x128xf32, #tpu.memory_space<hbm>>, %arg6: memref<10240x128xf32, #tpu.memory_space<hbm>>, %arg7: memref<2x10240x128xf32, #tpu.memory_space<hbm>>, %arg8: memref<40x128xi32, #tpu.memory_space<vmem>>, %arg9: memref<40x128xi32, #tpu.memory_space<vmem>>, %arg10: memref<2x128x128xf32, #tpu.memory_space<vmem>>, %arg11: memref<10240x128xf32, #tpu.memory_space<vmem_shared>>, %arg12: memref<2x!tpu.dma_semaphore, #tpu.memory_space<semaphore_mem>>) attributes {dimension_semantics = [#tpu.dimension_semantics<core_parallel>, #tpu.dimension_semantics<subcore_parallel>], iteration_bounds = array<i64: 2, 16>, scalar_prefetch = 0 : i64, scratch_operands = 5 : i64, tpu.core_type = #tpu.core_type<sc_vector_subcore>, window_params = [{transform_indices = #map}, {transform_indices = #map}, {transform_indices = #map}, {transform_indices = #map1}, {transform_indices = #map1}, {transform_indices = #map}]} {
    %mul3A = arith.constant 16 : i32
    %mul3A_0 = arith.muli %arg0, %mul3A : i32
    %add3A = arith.addi %mul3A_0, %arg1 : i32
    %mul3A_1 = arith.constant 640 : i32
    %mul3A_2 = arith.muli %arg1, %mul3A_1 : i32
    %mul3A_3 = arith.constant 640 : i32
    %mul3A_4 = arith.muli %arg1, %mul3A_3 : i32
    "tpu.region"() ({
      %run_scoped3A = tpu.sem_alloc : memref<!tpu.dma_semaphore, #tpu.memory_space<semaphore_mem>>
      %dma_start3A = arith.constant 0 : i32
      %dma_start3A_21 = tpu.memref_slice %arg11[%mul3A_4, %dma_start3A] : memref<10240x128xf32, #tpu.memory_space<vmem_shared>> -> memref<640x128xf32, #tpu.memory_space<vmem_shared>>
      %dma_start3A_22 = arith.constant 0 : i32
      %dma_start3A_23 = tpu.memref_slice %arg6[%mul3A_2, %dma_start3A_22] : memref<10240x128xf32, #tpu.memory_space<hbm>> -> memref<640x128xf32, #tpu.memory_space<hbm>>
      tpu.enqueue_dma source(%dma_start3A_23 : memref<640x128xf32, #tpu.memory_space<hbm>>) target(%dma_start3A_21 : memref<640x128xf32, #tpu.memory_space<vmem_shared>>) target_semaphore(%run_scoped3A : memref<!tpu.dma_semaphore, #tpu.memory_space<semaphore_mem>>)
      %dma_wait3A = arith.constant 0 : i32
      %dma_wait3A_24 = tpu.memref_slice %arg11[%mul3A_4, %dma_wait3A] : memref<10240x128xf32, #tpu.memory_space<vmem_shared>> -> memref<640x128xf32, #tpu.memory_space<vmem_shared>>
      %dma_wait3A_25 = arith.constant 0 : i32
      %dma_wait3A_26 = tpu.memref_slice %arg6[%mul3A_2, %dma_wait3A_25] : memref<10240x128xf32, #tpu.memory_space<hbm>> -> memref<640x128xf32, #tpu.memory_space<hbm>>
      tpu.wait_dma2 semaphore(%run_scoped3A : memref<!tpu.dma_semaphore, #tpu.memory_space<semaphore_mem>>) src(%dma_wait3A_26 : memref<640x128xf32, #tpu.memory_space<hbm>>) dst(%dma_wait3A_24 : memref<640x128xf32, #tpu.memory_space<vmem_shared>>)
      tpu.yield
    }) : () -> ()
    "tpu.region"() ({
      %run_scoped3A = tpu.sem_alloc : memref<!tpu.dma_semaphore, #tpu.memory_space<semaphore_mem>>
      %dma_start3A = arith.constant 0 : i32
      %dma_start3A_21 = arith.constant 0 : i32
      %dma_start3A_22 = tpu.memref_slice %arg2[%add3A, %dma_start3A, %dma_start3A_21] : memref<32x40x128xi32, #tpu.memory_space<hbm>> -> memref<1x40x128xi32, #tpu.memory_space<hbm>>
      %dma_start3A_23 = tpu.memref_squeeze %dma_start3A_22 : memref<1x40x128xi32, #tpu.memory_space<hbm>> -> memref<40x128xi32, #tpu.memory_space<hbm>>
      %dma_start3A_24 = arith.constant 0 : i32
      %dma_start3A_25 = arith.constant 0 : i32
      %dma_start3A_26 = tpu.memref_slice %arg2[%add3A, %dma_start3A_24, %dma_start3A_25] : memref<32x40x128xi32, #tpu.memory_space<hbm>> -> memref<1x40x128xi32, #tpu.memory_space<hbm>>
      %dma_start3A_27 = tpu.memref_squeeze %dma_start3A_26 : memref<1x40x128xi32, #tpu.memory_space<hbm>> -> memref<40x128xi32, #tpu.memory_space<hbm>>
      tpu.enqueue_dma source(%dma_start3A_27 : memref<40x128xi32, #tpu.memory_space<hbm>>) target(%arg9 : memref<40x128xi32, #tpu.memory_space<vmem>>) target_semaphore(%run_scoped3A : memref<!tpu.dma_semaphore, #tpu.memory_space<semaphore_mem>>)
      %dma_wait3A = arith.constant 0 : i32
      %dma_wait3A_28 = arith.constant 0 : i32
      %dma_wait3A_29 = tpu.memref_slice %arg2[%add3A, %dma_wait3A, %dma_wait3A_28] : memref<32x40x128xi32, #tpu.memory_space<hbm>> -> memref<1x40x128xi32, #tpu.memory_space<hbm>>
      %dma_wait3A_30 = tpu.memref_squeeze %dma_wait3A_29 : memref<1x40x128xi32, #tpu.memory_space<hbm>> -> memref<40x128xi32, #tpu.memory_space<hbm>>
      %dma_wait3A_31 = arith.constant 0 : i32
      %dma_wait3A_32 = arith.constant 0 : i32
      %dma_wait3A_33 = tpu.memref_slice %arg2[%add3A, %dma_wait3A_31, %dma_wait3A_32] : memref<32x40x128xi32, #tpu.memory_space<hbm>> -> memref<1x40x128xi32, #tpu.memory_space<hbm>>
      %dma_wait3A_34 = tpu.memref_squeeze %dma_wait3A_33 : memref<1x40x128xi32, #tpu.memory_space<hbm>> -> memref<40x128xi32, #tpu.memory_space<hbm>>
      tpu.wait_dma2 semaphore(%run_scoped3A : memref<!tpu.dma_semaphore, #tpu.memory_space<semaphore_mem>>) src(%dma_wait3A_34 : memref<40x128xi32, #tpu.memory_space<hbm>>) dst(%arg9 : memref<40x128xi32, #tpu.memory_space<vmem>>)
      tpu.yield
    }) : () -> ()
    "tpu.region"() ({
      %run_scoped3A = tpu.sem_alloc : memref<!tpu.dma_semaphore, #tpu.memory_space<semaphore_mem>>
      %dma_start3A = arith.constant 0 : i32
      %dma_start3A_21 = arith.constant 0 : i32
      %dma_start3A_22 = tpu.memref_slice %arg3[%add3A, %dma_start3A, %dma_start3A_21] : memref<32x40x128xi32, #tpu.memory_space<hbm>> -> memref<1x40x128xi32, #tpu.memory_space<hbm>>
      %dma_start3A_23 = tpu.memref_squeeze %dma_start3A_22 : memref<1x40x128xi32, #tpu.memory_space<hbm>> -> memref<40x128xi32, #tpu.memory_space<hbm>>
      %dma_start3A_24 = arith.constant 0 : i32
      %dma_start3A_25 = arith.constant 0 : i32
      %dma_start3A_26 = tpu.memref_slice %arg3[%add3A, %dma_start3A_24, %dma_start3A_25] : memref<32x40x128xi32, #tpu.memory_space<hbm>> -> memref<1x40x128xi32, #tpu.memory_space<hbm>>
      %dma_start3A_27 = tpu.memref_squeeze %dma_start3A_26 : memref<1x40x128xi32, #tpu.memory_space<hbm>> -> memref<40x128xi32, #tpu.memory_space<hbm>>
      tpu.enqueue_dma source(%dma_start3A_27 : memref<40x128xi32, #tpu.memory_space<hbm>>) target(%arg8 : memref<40x128xi32, #tpu.memory_space<vmem>>) target_semaphore(%run_scoped3A : memref<!tpu.dma_semaphore, #tpu.memory_space<semaphore_mem>>)
      %dma_wait3A = arith.constant 0 : i32
      %dma_wait3A_28 = arith.constant 0 : i32
      %dma_wait3A_29 = tpu.memref_slice %arg3[%add3A, %dma_wait3A, %dma_wait3A_28] : memref<32x40x128xi32, #tpu.memory_space<hbm>> -> memref<1x40x128xi32, #tpu.memory_space<hbm>>
      %dma_wait3A_30 = tpu.memref_squeeze %dma_wait3A_29 : memref<1x40x128xi32, #tpu.memory_space<hbm>> -> memref<40x128xi32, #tpu.memory_space<hbm>>
      %dma_wait3A_31 = arith.constant 0 : i32
      %dma_wait3A_32 = arith.constant 0 : i32
      %dma_wait3A_33 = tpu.memref_slice %arg3[%add3A, %dma_wait3A_31, %dma_wait3A_32] : memref<32x40x128xi32, #tpu.memory_space<hbm>> -> memref<1x40x128xi32, #tpu.memory_space<hbm>>
      %dma_wait3A_34 = tpu.memref_squeeze %dma_wait3A_33 : memref<1x40x128xi32, #tpu.memory_space<hbm>> -> memref<40x128xi32, #tpu.memory_space<hbm>>
      tpu.wait_dma2 semaphore(%run_scoped3A : memref<!tpu.dma_semaphore, #tpu.memory_space<semaphore_mem>>) src(%dma_wait3A_34 : memref<40x128xi32, #tpu.memory_space<hbm>>) dst(%arg8 : memref<40x128xi32, #tpu.memory_space<vmem>>)
      tpu.yield
    }) : () -> ()
    %scan3A = arith.constant 0 : i32
    %scan3A_5 = arith.constant 0 : i32
    %scan3A_6 = arith.constant 40 : i32
    %scan3A_7 = arith.addi %scan3A_5, %scan3A_6 : i32
    %scan3A_8 = arith.constant 1 : i32
    scf.for %scan3A_21 = %scan3A_5 to %scan3A_7 step %scan3A_8  : i32 {
      %scan3A_22 = arith.constant 0 : i32
      %scan3A_23 = arith.constant 8 : i32
      %scan3A_24 = arith.addi %scan3A_22, %scan3A_23 : i32
      %scan3A_25 = arith.constant 1 : i32
      scf.for %scan3A_27 = %scan3A_22 to %scan3A_24 step %scan3A_25  : i32 {
        %mul3A_28 = arith.constant 16 : i32
        %mul3A_29 = arith.muli %scan3A_27, %mul3A_28 : i32
        %get3A = arith.index_cast %scan3A_21 : i32 to index
        %get3A_30 = arith.index_cast %mul3A_29 : i32 to index
        %get3A_31 = tpu.vector_load %arg8[%get3A, %get3A_30] {strides = array<i32>} : memref<40x128xi32, #tpu.memory_space<vmem>>, vector<1x16xi32>,
        %get3A_32 = vector.shape_cast %get3A_31 : vector<1x16xi32> to vector<16xi32>
        %mul3A_33 = arith.constant 10000 : i32
        %mul3A_34 = vector.broadcast %mul3A_33 : i32 to vector<16xi32>
        %mul3A_35 = arith.muli %get3A_32, %mul3A_34 : vector<16xi32>
        %get3A_36 = arith.index_cast %scan3A_21 : i32 to index
        %get3A_37 = arith.index_cast %mul3A_29 : i32 to index
        %get3A_38 = tpu.vector_load %arg9[%get3A_36, %get3A_37] {strides = array<i32>} : memref<40x128xi32, #tpu.memory_space<vmem>>, vector<1x16xi32>,
        %get3A_39 = vector.shape_cast %get3A_38 : vector<1x16xi32> to vector<16xi32>
        %add3A_40 = arith.addi %mul3A_35, %get3A_39 : vector<16xi32>
        %swap3A = arith.index_cast %scan3A_21 : i32 to index
        %swap3A_41 = arith.index_cast %mul3A_29 : i32 to index
        %swap3A_42 = tpu.vector_load %arg9[%swap3A, %swap3A_41] {strides = array<i32>} : memref<40x128xi32, #tpu.memory_space<vmem>>, vector<1x16xi32>,
        %swap3A_43 = vector.shape_cast %swap3A_42 : vector<1x16xi32> to vector<16xi32>
        %swap3A_44 = vector.shape_cast %add3A_40 : vector<16xi32> to vector<1x16xi32>
        tpu.vector_store %arg9[%swap3A, %swap3A_41], %swap3A_44 {strides = array<i32>} : memref<40x128xi32, #tpu.memory_space<vmem>>, vector<1x16xi32>,
      }
      %scan3A_26 = arith.constant 8 : i32
    }
    %scan3A_9 = arith.constant 40 : i32
    "tpu.region"() ({
      %run_scoped3A = tpu.sem_alloc : memref<!tpu.dma_semaphore, #tpu.memory_space<semaphore_mem>>
      %dma_start3A = arith.constant 0 : i32
      %dma_start3A_21 = arith.constant 0 : i32
      %dma_start3A_22 = tpu.memref_slice %arg4[%add3A, %dma_start3A, %dma_start3A_21] : memref<32x40x128xi32, #tpu.memory_space<hbm>> -> memref<1x40x128xi32, #tpu.memory_space<hbm>>
      %dma_start3A_23 = tpu.memref_squeeze %dma_start3A_22 : memref<1x40x128xi32, #tpu.memory_space<hbm>> -> memref<40x128xi32, #tpu.memory_space<hbm>>
      %dma_start3A_24 = arith.constant 0 : i32
      %dma_start3A_25 = arith.constant 0 : i32
      %dma_start3A_26 = tpu.memref_slice %arg4[%add3A, %dma_start3A_24, %dma_start3A_25] : memref<32x40x128xi32, #tpu.memory_space<hbm>> -> memref<1x40x128xi32, #tpu.memory_space<hbm>>
      %dma_start3A_27 = tpu.memref_squeeze %dma_start3A_26 : memref<1x40x128xi32, #tpu.memory_space<hbm>> -> memref<40x128xi32, #tpu.memory_space<hbm>>
      tpu.enqueue_dma source(%dma_start3A_27 : memref<40x128xi32, #tpu.memory_space<hbm>>) target(%arg8 : memref<40x128xi32, #tpu.memory_space<vmem>>) target_semaphore(%run_scoped3A : memref<!tpu.dma_semaphore, #tpu.memory_space<semaphore_mem>>)
      %dma_wait3A = arith.constant 0 : i32
      %dma_wait3A_28 = arith.constant 0 : i32
      %dma_wait3A_29 = tpu.memref_slice %arg4[%add3A, %dma_wait3A, %dma_wait3A_28] : memref<32x40x128xi32, #tpu.memory_space<hbm>> -> memref<1x40x128xi32, #tpu.memory_space<hbm>>
      %dma_wait3A_30 = tpu.memref_squeeze %dma_wait3A_29 : memref<1x40x128xi32, #tpu.memory_space<hbm>> -> memref<40x128xi32, #tpu.memory_space<hbm>>
      %dma_wait3A_31 = arith.constant 0 : i32
      %dma_wait3A_32 = arith.constant 0 : i32
      %dma_wait3A_33 = tpu.memref_slice %arg4[%add3A, %dma_wait3A_31, %dma_wait3A_32] : memref<32x40x128xi32, #tpu.memory_space<hbm>> -> memref<1x40x128xi32, #tpu.memory_space<hbm>>
      %dma_wait3A_34 = tpu.memref_squeeze %dma_wait3A_33 : memref<1x40x128xi32, #tpu.memory_space<hbm>> -> memref<40x128xi32, #tpu.memory_space<hbm>>
      tpu.wait_dma2 semaphore(%run_scoped3A : memref<!tpu.dma_semaphore, #tpu.memory_space<semaphore_mem>>) src(%dma_wait3A_34 : memref<40x128xi32, #tpu.memory_space<hbm>>) dst(%arg8 : memref<40x128xi32, #tpu.memory_space<vmem>>)
      tpu.yield
    }) : () -> ()
    %barrier3A = arith.constant 0 : index
    tpu.barrier barrier_id(%barrier3A)
    %scan3A_10 = arith.constant 0 : i32
    %scan3A_11 = arith.constant 0 : i32
    %scan3A_12 = arith.constant 20 : i32
    %scan3A_13 = arith.addi %scan3A_11, %scan3A_12 : i32
    %scan3A_14 = arith.constant 1 : i32
    scf.for %scan3A_21 = %scan3A_11 to %scan3A_13 step %scan3A_14  : i32 {
      %mul3A_22 = arith.constant 2 : i32
      %mul3A_23 = arith.muli %scan3A_21, %mul3A_22 : i32
      %add3A_24 = arith.constant 0 : i32
      %add3A_25 = arith.addi %mul3A_23, %add3A_24 : i32
      %dma_start3A = arith.constant 0 : i32
      %dma_start3A_26 = arith.constant 0 : i32
      %dma_start3A_27 = arith.constant 0 : i32
      %dma_start3A_28 = arith.constant 0 : i32
      %dma_start3A_29 = tpu.memref_slice %arg10[%dma_start3A, %dma_start3A_27, %dma_start3A_28] : memref<2x128x128xf32, #tpu.memory_space<vmem>> -> memref<1x128x128xf32, #tpu.memory_space<vmem>>
      %dma_start3A_30 = tpu.memref_squeeze %dma_start3A_29 : memref<1x128x128xf32, #tpu.memory_space<vmem>> -> memref<128x128xf32, #tpu.memory_space<vmem>>
      %dma_start3A_31 = arith.constant 0 : i32
      %dma_start3A_32 = tpu.memref_slice %arg9[%add3A_25, %dma_start3A_31] : memref<40x128xi32, #tpu.memory_space<vmem>> -> memref<1x128xi32, #tpu.memory_space<vmem>>
      %dma_start3A_33 = tpu.memref_squeeze %dma_start3A_32 : memref<1x128xi32, #tpu.memory_space<vmem>> -> memref<128xi32, #tpu.memory_space<vmem>>
      %dma_start3A_34 = arith.constant 0 : i32
      %dma_start3A_35 = arith.constant 0 : i32
      %dma_start3A_36 = tpu.memref_slice %arg5[%dma_start3A_34, %dma_start3A_35] : memref<640000x128xf32, #tpu.memory_space<hbm>> -> memref<640000x128xf32, #tpu.memory_space<hbm>>
      %dma_start3A_37 = tpu.memref_slice %arg12[%dma_start3A_26] : memref<2x!tpu.dma_semaphore, #tpu.memory_space<semaphore_mem>> -> memref<1x!tpu.dma_semaphore, #tpu.memory_space<semaphore_mem>>
      %dma_start3A_38 = tpu.memref_squeeze %dma_start3A_37 : memref<1x!tpu.dma_semaphore, #tpu.memory_space<semaphore_mem>> -> memref<!tpu.dma_semaphore, #tpu.memory_space<semaphore_mem>>
      tpu.enqueue_indirect_dma source(%dma_start3A_36 : memref<640000x128xf32, #tpu.memory_space<hbm>>) target(%dma_start3A_30 : memref<128x128xf32, #tpu.memory_space<vmem>>) offsets(%dma_start3A_33 : memref<128xi32, #tpu.memory_space<vmem>>) semaphore(%dma_start3A_38 : memref<!tpu.dma_semaphore, #tpu.memory_space<semaphore_mem>>)
      %add3A_39 = arith.constant 1 : i32
      %add3A_40 = arith.addi %mul3A_23, %add3A_39 : i32
      %dma_start3A_41 = arith.constant 1 : i32
      %dma_start3A_42 = arith.constant 1 : i32
      %dma_start3A_43 = arith.constant 0 : i32
      %dma_start3A_44 = arith.constant 0 : i32
      %dma_start3A_45 = tpu.memref_slice %arg10[%dma_start3A_41, %dma_start3A_43, %dma_start3A_44] : memref<2x128x128xf32, #tpu.memory_space<vmem>> -> memref<1x128x128xf32, #tpu.memory_space<vmem>>
      %dma_start3A_46 = tpu.memref_squeeze %dma_start3A_45 : memref<1x128x128xf32, #tpu.memory_space<vmem>> -> memref<128x128xf32, #tpu.memory_space<vmem>>
      %dma_start3A_47 = arith.constant 0 : i32
      %dma_start3A_48 = tpu.memref_slice %arg9[%add3A_40, %dma_start3A_47] : memref<40x128xi32, #tpu.memory_space<vmem>> -> memref<1x128xi32, #tpu.memory_space<vmem>>
      %dma_start3A_49 = tpu.memref_squeeze %dma_start3A_48 : memref<1x128xi32, #tpu.memory_space<vmem>> -> memref<128xi32, #tpu.memory_space<vmem>>
      %dma_start3A_50 = arith.constant 0 : i32
      %dma_start3A_51 = arith.constant 0 : i32
      %dma_start3A_52 = tpu.memref_slice %arg5[%dma_start3A_50, %dma_start3A_51] : memref<640000x128xf32, #tpu.memory_space<hbm>> -> memref<640000x128xf32, #tpu.memory_space<hbm>>
      %dma_start3A_53 = tpu.memref_slice %arg12[%dma_start3A_42] : memref<2x!tpu.dma_semaphore, #tpu.memory_space<semaphore_mem>> -> memref<1x!tpu.dma_semaphore, #tpu.memory_space<semaphore_mem>>
      %dma_start3A_54 = tpu.memref_squeeze %dma_start3A_53 : memref<1x!tpu.dma_semaphore, #tpu.memory_space<semaphore_mem>> -> memref<!tpu.dma_semaphore, #tpu.memory_space<semaphore_mem>>
      tpu.enqueue_indirect_dma source(%dma_start3A_52 : memref<640000x128xf32, #tpu.memory_space<hbm>>) target(%dma_start3A_46 : memref<128x128xf32, #tpu.memory_space<vmem>>) offsets(%dma_start3A_49 : memref<128xi32, #tpu.memory_space<vmem>>) semaphore(%dma_start3A_54 : memref<!tpu.dma_semaphore, #tpu.memory_space<semaphore_mem>>)
      %dma_wait3A = arith.constant 0 : i32
      %dma_wait3A_55 = arith.constant 0 : i32
      %dma_wait3A_56 = arith.constant 0 : i32
      %dma_wait3A_57 = arith.constant 0 : i32
      %dma_wait3A_58 = tpu.memref_slice %arg10[%dma_wait3A, %dma_wait3A_56, %dma_wait3A_57] : memref<2x128x128xf32, #tpu.memory_space<vmem>> -> memref<1x128x128xf32, #tpu.memory_space<vmem>>
      %dma_wait3A_59 = tpu.memref_squeeze %dma_wait3A_58 : memref<1x128x128xf32, #tpu.memory_space<vmem>> -> memref<128x128xf32, #tpu.memory_space<vmem>>
      %dma_wait3A_60 = arith.constant 0 : i32
      %dma_wait3A_61 = tpu.memref_slice %arg9[%add3A_25, %dma_wait3A_60] : memref<40x128xi32, #tpu.memory_space<vmem>> -> memref<1x128xi32, #tpu.memory_space<vmem>>
      %dma_wait3A_62 = tpu.memref_squeeze %dma_wait3A_61 : memref<1x128xi32, #tpu.memory_space<vmem>> -> memref<128xi32, #tpu.memory_space<vmem>>
      %dma_wait3A_63 = arith.constant 0 : i32
      %dma_wait3A_64 = arith.constant 0 : i32
      %dma_wait3A_65 = tpu.memref_slice %arg5[%dma_wait3A_63, %dma_wait3A_64] : memref<640000x128xf32, #tpu.memory_space<hbm>> -> memref<640000x128xf32, #tpu.memory_space<hbm>>
      %dma_wait3A_66 = tpu.memref_slice %arg12[%dma_wait3A_55] : memref<2x!tpu.dma_semaphore, #tpu.memory_space<semaphore_mem>> -> memref<1x!tpu.dma_semaphore, #tpu.memory_space<semaphore_mem>>
      %dma_wait3A_67 = tpu.memref_squeeze %dma_wait3A_66 : memref<1x!tpu.dma_semaphore, #tpu.memory_space<semaphore_mem>> -> memref<!tpu.dma_semaphore, #tpu.memory_space<semaphore_mem>>
      tpu.wait_indirect_dma semaphore(%dma_wait3A_67 : memref<!tpu.dma_semaphore, #tpu.memory_space<semaphore_mem>>) src(%dma_wait3A_65 : memref<640000x128xf32, #tpu.memory_space<hbm>>) dst(%dma_wait3A_59 : memref<128x128xf32, #tpu.memory_space<vmem>>)
      %add3A_68 = arith.constant 0 : i32
      %add3A_69 = arith.addi %mul3A_23, %add3A_68 : i32
      %run_scoped3A = arith.constant 0 : i32
      "tpu.region"() ({
        %run_scoped3A_87 = tpu.sem_alloc : memref<!tpu.dma_semaphore, #tpu.memory_space<semaphore_mem>>
        %dma_start3A_88 = arith.constant 0 : i32
        %dma_start3A_89 = arith.constant 0 : i32
        %dma_start3A_90 = tpu.memref_slice %arg10[%run_scoped3A, %dma_start3A_88, %dma_start3A_89] : memref<2x128x128xf32, #tpu.memory_space<vmem>> -> memref<1x128x128xf32, #tpu.memory_space<vmem>>
        %dma_start3A_91 = tpu.memref_squeeze %dma_start3A_90 : memref<1x128x128xf32, #tpu.memory_space<vmem>> -> memref<128x128xf32, #tpu.memory_space<vmem>>
        %dma_start3A_92 = arith.constant 0 : i32
        %dma_start3A_93 = tpu.memref_slice %arg8[%add3A_69, %dma_start3A_92] : memref<40x128xi32, #tpu.memory_space<vmem>> -> memref<1x128xi32, #tpu.memory_space<vmem>>
        %dma_start3A_94 = tpu.memref_squeeze %dma_start3A_93 : memref<1x128xi32, #tpu.memory_space<vmem>> -> memref<128xi32, #tpu.memory_space<vmem>>
        %dma_start3A_95 = arith.constant 0 : i32
        %dma_start3A_96 = arith.constant 0 : i32
        %dma_start3A_97 = tpu.memref_slice %arg11[%dma_start3A_95, %dma_start3A_96] : memref<10240x128xf32, #tpu.memory_space<vmem_shared>> -> memref<10240x128xf32, #tpu.memory_space<vmem_shared>>
        tpu.enqueue_indirect_dma source(%dma_start3A_91 : memref<128x128xf32, #tpu.memory_space<vmem>>) target(%dma_start3A_97 : memref<10240x128xf32, #tpu.memory_space<vmem_shared>>) offsets(%dma_start3A_94 : memref<128xi32, #tpu.memory_space<vmem>>) semaphore(%run_scoped3A_87 : memref<!tpu.dma_semaphore, #tpu.memory_space<semaphore_mem>>) {add = true}
        %dma_wait3A_98 = arith.constant 0 : i32
        %dma_wait3A_99 = arith.constant 0 : i32
        %dma_wait3A_100 = tpu.memref_slice %arg10[%run_scoped3A, %dma_wait3A_98, %dma_wait3A_99] : memref<2x128x128xf32, #tpu.memory_space<vmem>> -> memref<1x128x128xf32, #tpu.memory_space<vmem>>
        %dma_wait3A_101 = tpu.memref_squeeze %dma_wait3A_100 : memref<1x128x128xf32, #tpu.memory_space<vmem>> -> memref<128x128xf32, #tpu.memory_space<vmem>>
        %dma_wait3A_102 = arith.constant 0 : i32
        %dma_wait3A_103 = tpu.memref_slice %arg8[%add3A_69, %dma_wait3A_102] : memref<40x128xi32, #tpu.memory_space<vmem>> -> memref<1x128xi32, #tpu.memory_space<vmem>>
        %dma_wait3A_104 = tpu.memref_squeeze %dma_wait3A_103 : memref<1x128xi32, #tpu.memory_space<vmem>> -> memref<128xi32, #tpu.memory_space<vmem>>
        %dma_wait3A_105 = arith.constant 0 : i32
        %dma_wait3A_106 = arith.constant 0 : i32
        %dma_wait3A_107 = tpu.memref_slice %arg11[%dma_wait3A_105, %dma_wait3A_106] : memref<10240x128xf32, #tpu.memory_space<vmem_shared>> -> memref<10240x128xf32, #tpu.memory_space<vmem_shared>>
        tpu.wait_indirect_dma semaphore(%run_scoped3A_87 : memref<!tpu.dma_semaphore, #tpu.memory_space<semaphore_mem>>) src(%dma_wait3A_101 : memref<128x128xf32, #tpu.memory_space<vmem>>) dst(%dma_wait3A_107 : memref<10240x128xf32, #tpu.memory_space<vmem_shared>>)
        tpu.yield
      }) : () -> ()
      %dma_wait3A_70 = arith.constant 1 : i32
      %dma_wait3A_71 = arith.constant 1 : i32
      %dma_wait3A_72 = arith.constant 0 : i32
      %dma_wait3A_73 = arith.constant 0 : i32
      %dma_wait3A_74 = tpu.memref_slice %arg10[%dma_wait3A_70, %dma_wait3A_72, %dma_wait3A_73] : memref<2x128x128xf32, #tpu.memory_space<vmem>> -> memref<1x128x128xf32, #tpu.memory_space<vmem>>
      %dma_wait3A_75 = tpu.memref_squeeze %dma_wait3A_74 : memref<1x128x128xf32, #tpu.memory_space<vmem>> -> memref<128x128xf32, #tpu.memory_space<vmem>>
      %dma_wait3A_76 = arith.constant 0 : i32
      %dma_wait3A_77 = tpu.memref_slice %arg9[%add3A_40, %dma_wait3A_76] : memref<40x128xi32, #tpu.memory_space<vmem>> -> memref<1x128xi32, #tpu.memory_space<vmem>>
      %dma_wait3A_78 = tpu.memref_squeeze %dma_wait3A_77 : memref<1x128xi32, #tpu.memory_space<vmem>> -> memref<128xi32, #tpu.memory_space<vmem>>
      %dma_wait3A_79 = arith.constant 0 : i32
      %dma_wait3A_80 = arith.constant 0 : i32
      %dma_wait3A_81 = tpu.memref_slice %arg5[%dma_wait3A_79, %dma_wait3A_80] : memref<640000x128xf32, #tpu.memory_space<hbm>> -> memref<640000x128xf32, #tpu.memory_space<hbm>>
      %dma_wait3A_82 = tpu.memref_slice %arg12[%dma_wait3A_71] : memref<2x!tpu.dma_semaphore, #tpu.memory_space<semaphore_mem>> -> memref<1x!tpu.dma_semaphore, #tpu.memory_space<semaphore_mem>>
      %dma_wait3A_83 = tpu.memref_squeeze %dma_wait3A_82 : memref<1x!tpu.dma_semaphore, #tpu.memory_space<semaphore_mem>> -> memref<!tpu.dma_semaphore, #tpu.memory_space<semaphore_mem>>
      tpu.wait_indirect_dma semaphore(%dma_wait3A_83 : memref<!tpu.dma_semaphore, #tpu.memory_space<semaphore_mem>>) src(%dma_wait3A_81 : memref<640000x128xf32, #tpu.memory_space<hbm>>) dst(%dma_wait3A_75 : memref<128x128xf32, #tpu.memory_space<vmem>>)
      %add3A_84 = arith.constant 1 : i32
      %add3A_85 = arith.addi %mul3A_23, %add3A_84 : i32
      %run_scoped3A_86 = arith.constant 1 : i32
      "tpu.region"() ({
        %run_scoped3A_87 = tpu.sem_alloc : memref<!tpu.dma_semaphore, #tpu.memory_space<semaphore_mem>>
        %dma_start3A_88 = arith.constant 0 : i32
        %dma_start3A_89 = arith.constant 0 : i32
        %dma_start3A_90 = tpu.memref_slice %arg10[%run_scoped3A_86, %dma_start3A_88, %dma_start3A_89] : memref<2x128x128xf32, #tpu.memory_space<vmem>> -> memref<1x128x128xf32, #tpu.memory_space<vmem>>
        %dma_start3A_91 = tpu.memref_squeeze %dma_start3A_90 : memref<1x128x128xf32, #tpu.memory_space<vmem>> -> memref<128x128xf32, #tpu.memory_space<vmem>>
        %dma_start3A_92 = arith.constant 0 : i32
        %dma_start3A_93 = tpu.memref_slice %arg8[%add3A_85, %dma_start3A_92] : memref<40x128xi32, #tpu.memory_space<vmem>> -> memref<1x128xi32, #tpu.memory_space<vmem>>
        %dma_start3A_94 = tpu.memref_squeeze %dma_start3A_93 : memref<1x128xi32, #tpu.memory_space<vmem>> -> memref<128xi32, #tpu.memory_space<vmem>>
        %dma_start3A_95 = arith.constant 0 : i32
        %dma_start3A_96 = arith.constant 0 : i32
        %dma_start3A_97 = tpu.memref_slice %arg11[%dma_start3A_95, %dma_start3A_96] : memref<10240x128xf32, #tpu.memory_space<vmem_shared>> -> memref<10240x128xf32, #tpu.memory_space<vmem_shared>>
        tpu.enqueue_indirect_dma source(%dma_start3A_91 : memref<128x128xf32, #tpu.memory_space<vmem>>) target(%dma_start3A_97 : memref<10240x128xf32, #tpu.memory_space<vmem_shared>>) offsets(%dma_start3A_94 : memref<128xi32, #tpu.memory_space<vmem>>) semaphore(%run_scoped3A_87 : memref<!tpu.dma_semaphore, #tpu.memory_space<semaphore_mem>>) {add = true}
        %dma_wait3A_98 = arith.constant 0 : i32
        %dma_wait3A_99 = arith.constant 0 : i32
        %dma_wait3A_100 = tpu.memref_slice %arg10[%run_scoped3A_86, %dma_wait3A_98, %dma_wait3A_99] : memref<2x128x128xf32, #tpu.memory_space<vmem>> -> memref<1x128x128xf32, #tpu.memory_space<vmem>>
        %dma_wait3A_101 = tpu.memref_squeeze %dma_wait3A_100 : memref<1x128x128xf32, #tpu.memory_space<vmem>> -> memref<128x128xf32, #tpu.memory_space<vmem>>
        %dma_wait3A_102 = arith.constant 0 : i32
        %dma_wait3A_103 = tpu.memref_slice %arg8[%add3A_85, %dma_wait3A_102] : memref<40x128xi32, #tpu.memory_space<vmem>> -> memref<1x128xi32, #tpu.memory_space<vmem>>
        %dma_wait3A_104 = tpu.memref_squeeze %dma_wait3A_103 : memref<1x128xi32, #tpu.memory_space<vmem>> -> memref<128xi32, #tpu.memory_space<vmem>>
        %dma_wait3A_105 = arith.constant 0 : i32
        %dma_wait3A_106 = arith.constant 0 : i32
        %dma_wait3A_107 = tpu.memref_slice %arg11[%dma_wait3A_105, %dma_wait3A_106] : memref<10240x128xf32, #tpu.memory_space<vmem_shared>> -> memref<10240x128xf32, #tpu.memory_space<vmem_shared>>
        tpu.wait_indirect_dma semaphore(%run_scoped3A_87 : memref<!tpu.dma_semaphore, #tpu.memory_space<semaphore_mem>>) src(%dma_wait3A_101 : memref<128x128xf32, #tpu.memory_space<vmem>>) dst(%dma_wait3A_107 : memref<10240x128xf32, #tpu.memory_space<vmem_shared>>)
        tpu.yield
      }) : () -> ()
    }
    %scan3A_15 = arith.constant 20 : i32
    %barrier3A_16 = arith.constant 0 : index
    tpu.barrier barrier_id(%barrier3A_16)
    %mul3A_17 = arith.constant 640 : i32
    %mul3A_18 = arith.muli %arg1, %mul3A_17 : i32
    %mul3A_19 = arith.constant 640 : i32
    %mul3A_20 = arith.muli %arg1, %mul3A_19 : i32
    "tpu.region"() ({
      %run_scoped3A = tpu.sem_alloc : memref<!tpu.dma_semaphore, #tpu.memory_space<semaphore_mem>>
      %dma_start3A = arith.constant 0 : i32
      %dma_start3A_21 = tpu.memref_slice %arg7[%arg0, %mul3A_20, %dma_start3A] : memref<2x10240x128xf32, #tpu.memory_space<hbm>> -> memref<1x640x128xf32, #tpu.memory_space<hbm>>
      %dma_start3A_22 = tpu.memref_squeeze %dma_start3A_21 : memref<1x640x128xf32, #tpu.memory_space<hbm>> -> memref<640x128xf32, #tpu.memory_space<hbm>>
      %dma_start3A_23 = arith.constant 0 : i32
      %dma_start3A_24 = tpu.memref_slice %arg11[%mul3A_18, %dma_start3A_23] : memref<10240x128xf32, #tpu.memory_space<vmem_shared>> -> memref<640x128xf32, #tpu.memory_space<vmem_shared>>
      tpu.enqueue_dma source(%dma_start3A_24 : memref<640x128xf32, #tpu.memory_space<vmem_shared>>) target(%dma_start3A_22 : memref<640x128xf32, #tpu.memory_space<hbm>>) target_semaphore(%run_scoped3A : memref<!tpu.dma_semaphore, #tpu.memory_space<semaphore_mem>>)
      %dma_wait3A = arith.constant 0 : i32
      %dma_wait3A_25 = tpu.memref_slice %arg7[%arg0, %mul3A_20, %dma_wait3A] : memref<2x10240x128xf32, #tpu.memory_space<hbm>> -> memref<1x640x128xf32, #tpu.memory_space<hbm>>
      %dma_wait3A_26 = tpu.memref_squeeze %dma_wait3A_25 : memref<1x640x128xf32, #tpu.memory_space<hbm>> -> memref<640x128xf32, #tpu.memory_space<hbm>>
      %dma_wait3A_27 = arith.constant 0 : i32
      %dma_wait3A_28 = tpu.memref_slice %arg11[%mul3A_18, %dma_wait3A_27] : memref<10240x128xf32, #tpu.memory_space<vmem_shared>> -> memref<640x128xf32, #tpu.memory_space<vmem_shared>>
      tpu.wait_dma2 semaphore(%run_scoped3A : memref<!tpu.dma_semaphore, #tpu.memory_space<semaphore_mem>>) src(%dma_wait3A_28 : memref<640x128xf32, #tpu.memory_space<vmem_shared>>) dst(%dma_wait3A_26 : memref<640x128xf32, #tpu.memory_space<hbm>>)
      tpu.yield
    }) : () -> ()
    return
  }
}

#map = affine_map<(d0, d1) -> (0, 0, 0)>
#map1 = affine_map<(d0, d1) -> (0, 0)>
module attributes {stable_mosaic.version = 14 : i64} {
  func.func @_sc_deg_body(%arg0: i32, %arg1: i32, %arg2: memref<32x40x128xi32, #tpu.memory_space<hbm>>, %arg3: memref<10240x128xf32, #tpu.memory_space<hbm>>, %arg4: memref<128x128xf32, #tpu.memory_space<hbm>>, %arg5: memref<2x10240x128xf32, #tpu.memory_space<hbm>>, %arg6: memref<40x128xi32, #tpu.memory_space<vmem>>, %arg7: memref<128x128xf32, #tpu.memory_space<vmem>>, %arg8: memref<10240x128xf32, #tpu.memory_space<vmem_shared>>) attributes {dimension_semantics = [#tpu.dimension_semantics<core_parallel>, #tpu.dimension_semantics<subcore_parallel>], iteration_bounds = array<i64: 2, 16>, scalar_prefetch = 0 : i64, scratch_operands = 3 : i64, tpu.core_type = #tpu.core_type<sc_vector_subcore>, window_params = [{transform_indices = #map}, {transform_indices = #map1}, {transform_indices = #map1}, {transform_indices = #map}]} {
    %mul3A = arith.constant 16 : i32
    %mul3A_0 = arith.muli %arg0, %mul3A : i32
    %add3A = arith.addi %mul3A_0, %arg1 : i32
    %mul3A_1 = arith.constant 640 : i32
    %mul3A_2 = arith.muli %arg1, %mul3A_1 : i32
    %mul3A_3 = arith.constant 640 : i32
    %mul3A_4 = arith.muli %arg1, %mul3A_3 : i32
    "tpu.region"() ({
      %run_scoped3A = tpu.sem_alloc : memref<!tpu.dma_semaphore, #tpu.memory_space<semaphore_mem>>
      %dma_start3A = arith.constant 0 : i32
      %dma_start3A_15 = tpu.memref_slice %arg8[%mul3A_4, %dma_start3A] : memref<10240x128xf32, #tpu.memory_space<vmem_shared>> -> memref<640x128xf32, #tpu.memory_space<vmem_shared>>
      %dma_start3A_16 = arith.constant 0 : i32
      %dma_start3A_17 = tpu.memref_slice %arg3[%mul3A_2, %dma_start3A_16] : memref<10240x128xf32, #tpu.memory_space<hbm>> -> memref<640x128xf32, #tpu.memory_space<hbm>>
      tpu.enqueue_dma source(%dma_start3A_17 : memref<640x128xf32, #tpu.memory_space<hbm>>) target(%dma_start3A_15 : memref<640x128xf32, #tpu.memory_space<vmem_shared>>) target_semaphore(%run_scoped3A : memref<!tpu.dma_semaphore, #tpu.memory_space<semaphore_mem>>)
      %dma_wait3A = arith.constant 0 : i32
      %dma_wait3A_18 = tpu.memref_slice %arg8[%mul3A_4, %dma_wait3A] : memref<10240x128xf32, #tpu.memory_space<vmem_shared>> -> memref<640x128xf32, #tpu.memory_space<vmem_shared>>
      %dma_wait3A_19 = arith.constant 0 : i32
      %dma_wait3A_20 = tpu.memref_slice %arg3[%mul3A_2, %dma_wait3A_19] : memref<10240x128xf32, #tpu.memory_space<hbm>> -> memref<640x128xf32, #tpu.memory_space<hbm>>
      tpu.wait_dma2 semaphore(%run_scoped3A : memref<!tpu.dma_semaphore, #tpu.memory_space<semaphore_mem>>) src(%dma_wait3A_20 : memref<640x128xf32, #tpu.memory_space<hbm>>) dst(%dma_wait3A_18 : memref<640x128xf32, #tpu.memory_space<vmem_shared>>)
      tpu.yield
    }) : () -> ()
    "tpu.region"() ({
      %run_scoped3A = tpu.sem_alloc : memref<!tpu.dma_semaphore, #tpu.memory_space<semaphore_mem>>
      %dma_start3A = arith.constant 0 : i32
      %dma_start3A_15 = arith.constant 0 : i32
      %dma_start3A_16 = tpu.memref_slice %arg2[%add3A, %dma_start3A, %dma_start3A_15] : memref<32x40x128xi32, #tpu.memory_space<hbm>> -> memref<1x40x128xi32, #tpu.memory_space<hbm>>
      %dma_start3A_17 = tpu.memref_squeeze %dma_start3A_16 : memref<1x40x128xi32, #tpu.memory_space<hbm>> -> memref<40x128xi32, #tpu.memory_space<hbm>>
      %dma_start3A_18 = arith.constant 0 : i32
      %dma_start3A_19 = arith.constant 0 : i32
      %dma_start3A_20 = tpu.memref_slice %arg2[%add3A, %dma_start3A_18, %dma_start3A_19] : memref<32x40x128xi32, #tpu.memory_space<hbm>> -> memref<1x40x128xi32, #tpu.memory_space<hbm>>
      %dma_start3A_21 = tpu.memref_squeeze %dma_start3A_20 : memref<1x40x128xi32, #tpu.memory_space<hbm>> -> memref<40x128xi32, #tpu.memory_space<hbm>>
      tpu.enqueue_dma source(%dma_start3A_21 : memref<40x128xi32, #tpu.memory_space<hbm>>) target(%arg6 : memref<40x128xi32, #tpu.memory_space<vmem>>) target_semaphore(%run_scoped3A : memref<!tpu.dma_semaphore, #tpu.memory_space<semaphore_mem>>)
      %dma_wait3A = arith.constant 0 : i32
      %dma_wait3A_22 = arith.constant 0 : i32
      %dma_wait3A_23 = tpu.memref_slice %arg2[%add3A, %dma_wait3A, %dma_wait3A_22] : memref<32x40x128xi32, #tpu.memory_space<hbm>> -> memref<1x40x128xi32, #tpu.memory_space<hbm>>
      %dma_wait3A_24 = tpu.memref_squeeze %dma_wait3A_23 : memref<1x40x128xi32, #tpu.memory_space<hbm>> -> memref<40x128xi32, #tpu.memory_space<hbm>>
      %dma_wait3A_25 = arith.constant 0 : i32
      %dma_wait3A_26 = arith.constant 0 : i32
      %dma_wait3A_27 = tpu.memref_slice %arg2[%add3A, %dma_wait3A_25, %dma_wait3A_26] : memref<32x40x128xi32, #tpu.memory_space<hbm>> -> memref<1x40x128xi32, #tpu.memory_space<hbm>>
      %dma_wait3A_28 = tpu.memref_squeeze %dma_wait3A_27 : memref<1x40x128xi32, #tpu.memory_space<hbm>> -> memref<40x128xi32, #tpu.memory_space<hbm>>
      tpu.wait_dma2 semaphore(%run_scoped3A : memref<!tpu.dma_semaphore, #tpu.memory_space<semaphore_mem>>) src(%dma_wait3A_28 : memref<40x128xi32, #tpu.memory_space<hbm>>) dst(%arg6 : memref<40x128xi32, #tpu.memory_space<vmem>>)
      tpu.yield
    }) : () -> ()
    "tpu.region"() ({
      %run_scoped3A = tpu.sem_alloc : memref<!tpu.dma_semaphore, #tpu.memory_space<semaphore_mem>>
      tpu.enqueue_dma source(%arg4 : memref<128x128xf32, #tpu.memory_space<hbm>>) target(%arg7 : memref<128x128xf32, #tpu.memory_space<vmem>>) target_semaphore(%run_scoped3A : memref<!tpu.dma_semaphore, #tpu.memory_space<semaphore_mem>>)
      tpu.wait_dma2 semaphore(%run_scoped3A : memref<!tpu.dma_semaphore, #tpu.memory_space<semaphore_mem>>) src(%arg4 : memref<128x128xf32, #tpu.memory_space<hbm>>) dst(%arg7 : memref<128x128xf32, #tpu.memory_space<vmem>>)
      tpu.yield
    }) : () -> ()
    %barrier3A = arith.constant 0 : index
    tpu.barrier barrier_id(%barrier3A)
    %scan3A = arith.constant 0 : i32
    %scan3A_5 = arith.constant 0 : i32
    %scan3A_6 = arith.constant 40 : i32
    %scan3A_7 = arith.addi %scan3A_5, %scan3A_6 : i32
    %scan3A_8 = arith.constant 1 : i32
    scf.for %scan3A_15 = %scan3A_5 to %scan3A_7 step %scan3A_8  : i32 {
      "tpu.region"() ({
        %run_scoped3A = tpu.sem_alloc : memref<!tpu.dma_semaphore, #tpu.memory_space<semaphore_mem>>
        %dma_start3A = arith.constant 0 : i32
        %dma_start3A_16 = tpu.memref_slice %arg6[%scan3A_15, %dma_start3A] : memref<40x128xi32, #tpu.memory_space<vmem>> -> memref<1x128xi32, #tpu.memory_space<vmem>>
        %dma_start3A_17 = tpu.memref_squeeze %dma_start3A_16 : memref<1x128xi32, #tpu.memory_space<vmem>> -> memref<128xi32, #tpu.memory_space<vmem>>
        %dma_start3A_18 = arith.constant 0 : i32
        %dma_start3A_19 = arith.constant 0 : i32
        %dma_start3A_20 = tpu.memref_slice %arg8[%dma_start3A_18, %dma_start3A_19] : memref<10240x128xf32, #tpu.memory_space<vmem_shared>> -> memref<10240x128xf32, #tpu.memory_space<vmem_shared>>
        tpu.enqueue_indirect_dma source(%arg7 : memref<128x128xf32, #tpu.memory_space<vmem>>) target(%dma_start3A_20 : memref<10240x128xf32, #tpu.memory_space<vmem_shared>>) offsets(%dma_start3A_17 : memref<128xi32, #tpu.memory_space<vmem>>) semaphore(%run_scoped3A : memref<!tpu.dma_semaphore, #tpu.memory_space<semaphore_mem>>) {add = true}
        %dma_wait3A = arith.constant 0 : i32
        %dma_wait3A_21 = tpu.memref_slice %arg6[%scan3A_15, %dma_wait3A] : memref<40x128xi32, #tpu.memory_space<vmem>> -> memref<1x128xi32, #tpu.memory_space<vmem>>
        %dma_wait3A_22 = tpu.memref_squeeze %dma_wait3A_21 : memref<1x128xi32, #tpu.memory_space<vmem>> -> memref<128xi32, #tpu.memory_space<vmem>>
        %dma_wait3A_23 = arith.constant 0 : i32
        %dma_wait3A_24 = arith.constant 0 : i32
        %dma_wait3A_25 = tpu.memref_slice %arg8[%dma_wait3A_23, %dma_wait3A_24] : memref<10240x128xf32, #tpu.memory_space<vmem_shared>> -> memref<10240x128xf32, #tpu.memory_space<vmem_shared>>
        tpu.wait_indirect_dma semaphore(%run_scoped3A : memref<!tpu.dma_semaphore, #tpu.memory_space<semaphore_mem>>) src(%arg7 : memref<128x128xf32, #tpu.memory_space<vmem>>) dst(%dma_wait3A_25 : memref<10240x128xf32, #tpu.memory_space<vmem_shared>>)
        tpu.yield
      }) : () -> ()
    }
    %scan3A_9 = arith.constant 40 : i32
    %barrier3A_10 = arith.constant 0 : index
    tpu.barrier barrier_id(%barrier3A_10)
    %mul3A_11 = arith.constant 640 : i32
    %mul3A_12 = arith.muli %arg1, %mul3A_11 : i32
    %mul3A_13 = arith.constant 640 : i32
    %mul3A_14 = arith.muli %arg1, %mul3A_13 : i32
    "tpu.region"() ({
      %run_scoped3A = tpu.sem_alloc : memref<!tpu.dma_semaphore, #tpu.memory_space<semaphore_mem>>
      %dma_start3A = arith.constant 0 : i32
      %dma_start3A_15 = tpu.memref_slice %arg5[%arg0, %mul3A_14, %dma_start3A] : memref<2x10240x128xf32, #tpu.memory_space<hbm>> -> memref<1x640x128xf32, #tpu.memory_space<hbm>>
      %dma_start3A_16 = tpu.memref_squeeze %dma_start3A_15 : memref<1x640x128xf32, #tpu.memory_space<hbm>> -> memref<640x128xf32, #tpu.memory_space<hbm>>
      %dma_start3A_17 = arith.constant 0 : i32
      %dma_start3A_18 = tpu.memref_slice %arg8[%mul3A_12, %dma_start3A_17] : memref<10240x128xf32, #tpu.memory_space<vmem_shared>> -> memref<640x128xf32, #tpu.memory_space<vmem_shared>>
      tpu.enqueue_dma source(%dma_start3A_18 : memref<640x128xf32, #tpu.memory_space<vmem_shared>>) target(%dma_start3A_16 : memref<640x128xf32, #tpu.memory_space<hbm>>) target_semaphore(%run_scoped3A : memref<!tpu.dma_semaphore, #tpu.memory_space<semaphore_mem>>)
      %dma_wait3A = arith.constant 0 : i32
      %dma_wait3A_19 = tpu.memref_slice %arg5[%arg0, %mul3A_14, %dma_wait3A] : memref<2x10240x128xf32, #tpu.memory_space<hbm>> -> memref<1x640x128xf32, #tpu.memory_space<hbm>>
      %dma_wait3A_20 = tpu.memref_squeeze %dma_wait3A_19 : memref<1x640x128xf32, #tpu.memory_space<hbm>> -> memref<640x128xf32, #tpu.memory_space<hbm>>
      %dma_wait3A_21 = arith.constant 0 : i32
      %dma_wait3A_22 = tpu.memref_slice %arg8[%mul3A_12, %dma_wait3A_21] : memref<10240x128xf32, #tpu.memory_space<vmem_shared>> -> memref<640x128xf32, #tpu.memory_space<vmem_shared>>
      tpu.wait_dma2 semaphore(%run_scoped3A : memref<!tpu.dma_semaphore, #tpu.memory_space<semaphore_mem>>) src(%dma_wait3A_22 : memref<640x128xf32, #tpu.memory_space<vmem_shared>>) dst(%dma_wait3A_20 : memref<640x128xf32, #tpu.memory_space<hbm>>)
      tpu.yield
    }) : () -> ()
    return
  }
}

module attributes {stable_mosaic.version = 14 : i64} {
  func.func @body(%arg0: i32, %arg1: i32, %arg2: memref<64x4xf32, #tpu.memory_space<smem>>, %arg3: memref<4x2000x128xf32, #tpu.memory_space<vmem>>, %arg4: memref<1x2000x128xf32, #tpu.memory_space<vmem>>) attributes {dimension_semantics = [#tpu.dimension_semantics<arbitrary>, #tpu.dimension_semantics<arbitrary>], iteration_bounds = array<i64: 5, 64>, scalar_prefetch = 0 : i64, scratch_operands = 0 : i64, tpu.core_type = #tpu.core_type<tc>, window_params = [{transform_indices = @transform_0, window_bounds = array<i64: 64, 4>}, {transform_indices = @transform_1, window_bounds = array<i64: 4, 2000, 128>}, {transform_indices = @transform_2, window_bounds = array<i64: 1, 2000, 128>}]} {
    %get3A = arith.constant 0 : index
    %get3A_0 = arith.constant 0 : index
    %get3A_1 = arith.constant 0 : index
    %get3A_2 = vector.load %arg3[%get3A, %get3A_0, %get3A_1] : memref<4x2000x128xf32, #tpu.memory_space<vmem>>, vector<1x2000x128xf32>
    %get3A_3 = vector.shape_cast %get3A_2 : vector<1x2000x128xf32> to vector<2000x128xf32>
    %get3A_4 = arith.index_cast %arg1 : i32 to index
    %get3A_5 = arith.constant 0 : index
    %get3A_6 = memref.load %arg2[%get3A_4, %get3A_5] : memref<64x4xf32, #tpu.memory_space<smem>>
    %mul3A = vector.broadcast %get3A_6 : f32 to vector<2000x128xf32>
    %mul3A_7 = arith.mulf %get3A_3, %mul3A : vector<2000x128xf32>
    %get3A_8 = arith.constant 1 : index
    %get3A_9 = arith.constant 0 : index
    %get3A_10 = arith.constant 0 : index
    %get3A_11 = vector.load %arg3[%get3A_8, %get3A_9, %get3A_10] : memref<4x2000x128xf32, #tpu.memory_space<vmem>>, vector<1x2000x128xf32>
    %get3A_12 = vector.shape_cast %get3A_11 : vector<1x2000x128xf32> to vector<2000x128xf32>
    %get3A_13 = arith.index_cast %arg1 : i32 to index
    %get3A_14 = arith.constant 1 : index
    %get3A_15 = memref.load %arg2[%get3A_13, %get3A_14] : memref<64x4xf32, #tpu.memory_space<smem>>
    %mul3A_16 = vector.broadcast %get3A_15 : f32 to vector<2000x128xf32>
    %mul3A_17 = arith.mulf %get3A_12, %mul3A_16 : vector<2000x128xf32>
    %add3A = arith.addf %mul3A_7, %mul3A_17 : vector<2000x128xf32>
    %get3A_18 = arith.constant 2 : index
    %get3A_19 = arith.constant 0 : index
    %get3A_20 = arith.constant 0 : index
    %get3A_21 = vector.load %arg3[%get3A_18, %get3A_19, %get3A_20] : memref<4x2000x128xf32, #tpu.memory_space<vmem>>, vector<1x2000x128xf32>
    %get3A_22 = vector.shape_cast %get3A_21 : vector<1x2000x128xf32> to vector<2000x128xf32>
    %get3A_23 = arith.index_cast %arg1 : i32 to index
    %get3A_24 = arith.constant 2 : index
    %get3A_25 = memref.load %arg2[%get3A_23, %get3A_24] : memref<64x4xf32, #tpu.memory_space<smem>>
    %mul3A_26 = vector.broadcast %get3A_25 : f32 to vector<2000x128xf32>
    %mul3A_27 = arith.mulf %get3A_22, %mul3A_26 : vector<2000x128xf32>
    %add3A_28 = arith.addf %add3A, %mul3A_27 : vector<2000x128xf32>
    %get3A_29 = arith.constant 3 : index
    %get3A_30 = arith.constant 0 : index
    %get3A_31 = arith.constant 0 : index
    %get3A_32 = vector.load %arg3[%get3A_29, %get3A_30, %get3A_31] : memref<4x2000x128xf32, #tpu.memory_space<vmem>>, vector<1x2000x128xf32>
    %get3A_33 = vector.shape_cast %get3A_32 : vector<1x2000x128xf32> to vector<2000x128xf32>
    %get3A_34 = arith.index_cast %arg1 : i32 to index
    %get3A_35 = arith.constant 3 : index
    %get3A_36 = memref.load %arg2[%get3A_34, %get3A_35] : memref<64x4xf32, #tpu.memory_space<smem>>
    %mul3A_37 = vector.broadcast %get3A_36 : f32 to vector<2000x128xf32>
    %mul3A_38 = arith.mulf %get3A_33, %mul3A_37 : vector<2000x128xf32>
    %add3A_39 = arith.addf %add3A_28, %mul3A_38 : vector<2000x128xf32>
    %swap3A = arith.constant 0 : index
    %swap3A_40 = arith.constant 0 : index
    %swap3A_41 = arith.constant 0 : index
    %swap3A_42 = vector.load %arg4[%swap3A, %swap3A_40, %swap3A_41] : memref<1x2000x128xf32, #tpu.memory_space<vmem>>, vector<1x2000x128xf32>
    %swap3A_43 = vector.shape_cast %swap3A_42 : vector<1x2000x128xf32> to vector<2000x128xf32>
    %swap3A_44 = vector.shape_cast %add3A_39 : vector<2000x128xf32> to vector<1x2000x128xf32>
    tpu.vector_store %arg4[%swap3A, %swap3A_40, %swap3A_41], %swap3A_44 {strides = array<i32>} : memref<1x2000x128xf32, #tpu.memory_space<vmem>>, vector<1x2000x128xf32>,
    return
  }
  func.func @transform_0(%arg0: i32, %arg1: i32) -> (i32, i32) {
    %c0_i32 = arith.constant 0 : i32
    %c0_i32_0 = arith.constant 0 : i32
    %c0_i32_1 = arith.constant 0 : i32
    return %c0_i32, %c0_i32_0 : i32, i32
  }
  func.func @transform_1(%arg0: i32, %arg1: i32) -> (i32, i32, i32) {
    %c0_i32 = arith.constant 0 : i32
    %c0_i32_0 = arith.constant 0 : i32
    %c0_i32_1 = arith.constant 0 : i32
    return %c0_i32, %arg0, %c0_i32_0 : i32, i32, i32
  }
  func.func @transform_2(%arg0: i32, %arg1: i32) -> (i32, i32, i32) {
    %c0_i32 = arith.constant 0 : i32
    %c0_i32_0 = arith.constant 0 : i32
    return %arg1, %arg0, %c0_i32 : i32, i32, i32
  }
}

module attributes {stable_mosaic.version = 14 : i64} {
  func.func @_combine_body(%arg0: i32, %arg1: memref<2x512x128xf32, #tpu.memory_space<vmem>>, %arg2: memref<2x512x128xf32, #tpu.memory_space<vmem>>, %arg3: memref<512x128xf32, #tpu.memory_space<vmem>>, %arg4: memref<1x128xf32, #tpu.memory_space<vmem>>, %arg5: memref<512x128xf32, #tpu.memory_space<vmem>>) attributes {dimension_semantics = [#tpu.dimension_semantics<arbitrary>], iteration_bounds = array<i64: 20>, scalar_prefetch = 0 : i64, scratch_operands = 0 : i64, tpu.core_type = #tpu.core_type<tc>, window_params = [{transform_indices = @transform_0, window_bounds = array<i64: 2, 512, 128>}, {transform_indices = @transform_1, window_bounds = array<i64: 2, 512, 128>}, {transform_indices = @transform_2, window_bounds = array<i64: 512, 128>}, {pipeline_mode = #tpu.pipeline_mode<synchronous>, transform_indices = @transform_3, window_bounds = array<i64: 1, 128>}, {transform_indices = @transform_4, window_bounds = array<i64: 512, 128>}]} {
    %get3A = arith.constant 0 : index
    %get3A_0 = arith.constant 0 : index
    %get3A_1 = arith.constant 0 : index
    %get3A_2 = vector.load %arg1[%get3A, %get3A_0, %get3A_1] : memref<2x512x128xf32, #tpu.memory_space<vmem>>, vector<1x512x128xf32>
    %get3A_3 = vector.shape_cast %get3A_2 : vector<1x512x128xf32> to vector<512x128xf32>
    %get3A_4 = arith.constant 1 : index
    %get3A_5 = arith.constant 0 : index
    %get3A_6 = arith.constant 0 : index
    %get3A_7 = vector.load %arg1[%get3A_4, %get3A_5, %get3A_6] : memref<2x512x128xf32, #tpu.memory_space<vmem>>, vector<1x512x128xf32>
    %get3A_8 = vector.shape_cast %get3A_7 : vector<1x512x128xf32> to vector<512x128xf32>
    %add3A = arith.addf %get3A_3, %get3A_8 : vector<512x128xf32>
    %get3A_9 = arith.constant 0 : index
    %get3A_10 = arith.constant 0 : index
    %get3A_11 = arith.constant 0 : index
    %get3A_12 = vector.load %arg2[%get3A_9, %get3A_10, %get3A_11] : memref<2x512x128xf32, #tpu.memory_space<vmem>>, vector<1x512x128xf32>
    %get3A_13 = vector.shape_cast %get3A_12 : vector<1x512x128xf32> to vector<512x128xf32>
    %get3A_14 = arith.constant 1 : index
    %get3A_15 = arith.constant 0 : index
    %get3A_16 = arith.constant 0 : index
    %get3A_17 = vector.load %arg2[%get3A_14, %get3A_15, %get3A_16] : memref<2x512x128xf32, #tpu.memory_space<vmem>>, vector<1x512x128xf32>
    %get3A_18 = vector.shape_cast %get3A_17 : vector<1x512x128xf32> to vector<512x128xf32>
    %add3A_19 = arith.addf %get3A_13, %get3A_18 : vector<512x128xf32>
    %slice3A = vector.extract_strided_slice %add3A_19 {offsets = [0, 0], sizes = [512, 1], strides = [1, 1]} : vector<512x128xf32> to vector<512x1xf32>
    %max3A = arith.constant 1.000000e+00 : f32
    %max3A_20 = vector.broadcast %max3A : f32 to vector<512x1xf32>
    %max3A_21 = arith.maximumf %slice3A, %max3A_20 : vector<512x1xf32>
    %div3A = vector.broadcast %max3A_21 : vector<512x1xf32> to vector<512x128xf32>
    %div3A_22 = arith.divf %add3A, %div3A : vector<512x128xf32>
    %get3A_23 = arith.constant 0 : index
    %get3A_24 = arith.constant 0 : index
    %get3A_25 = vector.load %arg3[%get3A_23, %get3A_24] : memref<512x128xf32, #tpu.memory_space<vmem>>, vector<512x128xf32>
    %add3A_26 = arith.addf %div3A_22, %get3A_25 : vector<512x128xf32>
    %get3A_27 = arith.constant 0 : index
    %get3A_28 = arith.constant 0 : index
    %get3A_29 = vector.load %arg4[%get3A_27, %get3A_28] : memref<1x128xf32, #tpu.memory_space<vmem>>, vector<1x128xf32>
    %add3A_30 = vector.broadcast %get3A_29 : vector<1x128xf32> to vector<512x128xf32>
    %add3A_31 = arith.addf %add3A_26, %add3A_30 : vector<512x128xf32>
    %swap3A = arith.constant 0 : index
    %swap3A_32 = arith.constant 0 : index
    %swap3A_33 = vector.load %arg5[%swap3A, %swap3A_32] : memref<512x128xf32, #tpu.memory_space<vmem>>, vector<512x128xf32>
    tpu.vector_store %arg5[%swap3A, %swap3A_32], %add3A_31 {strides = array<i32>} : memref<512x128xf32, #tpu.memory_space<vmem>>, vector<512x128xf32>,
    return
  }
  func.func @transform_0(%arg0: i32) -> (i32, i32, i32) {
    %c0_i32 = arith.constant 0 : i32
    %c0_i32_0 = arith.constant 0 : i32
    %c0_i32_1 = arith.constant 0 : i32
    return %c0_i32, %arg0, %c0_i32_0 : i32, i32, i32
  }
  func.func @transform_1(%arg0: i32) -> (i32, i32, i32) {
    %c0_i32 = arith.constant 0 : i32
    %c0_i32_0 = arith.constant 0 : i32
    %c0_i32_1 = arith.constant 0 : i32
    return %c0_i32, %arg0, %c0_i32_0 : i32, i32, i32
  }
  func.func @transform_2(%arg0: i32) -> (i32, i32) {
    %c0_i32 = arith.constant 0 : i32
    %c0_i32_0 = arith.constant 0 : i32
    return %arg0, %c0_i32 : i32, i32
  }
  func.func @transform_3(%arg0: i32) -> (i32, i32) {
    %c0_i32 = arith.constant 0 : i32
    %c0_i32_0 = arith.constant 0 : i32
    %c0_i32_1 = arith.constant 0 : i32
    return %c0_i32, %c0_i32_0 : i32, i32
  }
  func.func @transform_4(%arg0: i32) -> (i32, i32) {
    %c0_i32 = arith.constant 0 : i32
    %c0_i32_0 = arith.constant 0 : i32
    return %arg0, %c0_i32 : i32, i32
  }
}

</mosaic_0001>

<sc_bundles>
// kernel: kernel.6.cloned.1.call-start
scs
__scs_entry_jumppad:
0x0: {  	(pc) =	sbr.rel $0x88, $3  }
0x1: {  	(tag) =	ssettag $0x0;
	lr =	simm.s32 $0x1  }
0x2: {  	[smem:$0x3F9B] =	sst lr;
	_ =	strace $0xD0000000  }
0x3: {  	_ = 	snop  }
0x4: {  	_ = 	snop  }
0x5: {  	_ = 	snop  }
0x6: {  	_ = 	snop  }
0x7: {  	_ = 	snop  }
__scs_overlays_trampoline_lowered:
0x8: {  	[smem:$0x3FAA] =	sst s0  }
0x9: {  	[smem:$0x3FAB] =	sst s1  }
0xa: {  	[smem:$0x3FAC] =	sst s2  }
0xb: {  	[smem:$0x3FAD] =	sst s3  }
0xc: {  	[smem:$0x3FAE] =	sst s4  }
0xd: {  	[smem:$0x3FAF] =	sst s5  }
0xe: {  	[smem:$0x3FB0] =	sst s6  }
0xf: {  	[smem:$0x3FB1] =	sst s7  }
0x10: {  	[smem:$0x3FB2] =	sst s8  }
0x11: {  	[smem:$0x3FB3] =	sst s9;
	s0 =	simm.s32 @!p0 $0x0  }
0x12: {  	s1 =	sld [smem:$0x3F99];
	s0 =	simm.s32 @p0 $0x1  }
0x13: {  	[smem:$0x3FB4] =	sst s0;
	s0 =	simm.s32 @!p1 $0x0  }
0x14: {  	s2 =	sld [smem:$0x3F98];
	s0 =	simm.s32 @p1 $0x1  }
0x15: {  	[smem:$0x3FB5] =	sst s0;
	s0 =	simm.s32 @!p2 $0x0  }
0x16: {  	s3 =	sld [smem:$0x3FDB];
	s0 =	simm.s32 @p2 $0x1  }
0x17: {  	s4 =	simm.s32 $0x1BF5;
	[smem:$0x3FB7] =	sst s0  }
0x18: {  	s0 =	sld [smem:$0x3F9A];
	_ =	swait.ge [sflag:s4], $0x0  }
0x19: {  	s7 =	sld [smem:$0x3F9B]  }
0x1a: {  	s8 =	sadd.s32 $0xFFFFE003, lr  }
0x1b: {  	s9 =	sadd.s32 $0xFFFFFEF7, lr;
	s5 =	simm.s32 $0xFFFFFFFF;
	p2 =	slt.u32 s8, $0xFFFFF086  }
0x1c: {  	p1 =	slt.u32 s9, $0xF7A;
	s5 =	simm.s32 @!p2 $0x0  }
0x1d: {  	s5 =	simm.s32 @p1 $0x1;
	p0 =	seq.s32 s7, s2  }
0x1e: {  	s7 =	smul.u32 @!p0 $0xF7A, s2;
	p2 =	seq.s32 @!p0 s5, $0x0  }
0x1f: {  	s9 =	smul.u32 $0xF7A, s1;
	s8 =	simm.s32 @!p0 $0x1BF5;
	p2 =	por !p2, p0  }
0x20: {  	[sflag:s8] =	ssyncset.s32 @!p0 $0xFFFFF086;
	s6 =	sadd.s32 @!p0 s3, s7;
	s7 =	simm.s32 @!p0 $0x108  }
0x21: {  	s3 =	sadd.s32 s3, s9;
	s6 =	sadd.s32 @!p0 $0x88, s6;
	s7 =	simm.s32 @p2 $0x1082  }
0x22: {  	[simem:s7], [sflag:s8] =	dma.local @!p0 [hbm:s6], $0xF7A  }
0x23: {  	s9 =	sor.u32 $0xD0000000, s2;
	s6 =	simm.s32 $0x108;
	_ =	swait.ge @!p0 [sflag:s8], $0x0  }
0x24: {  	s3 =	sadd.s32 $0x88, s3;
	s6 =	simm.s32 @!p1 $0x1082;
	[sflag:s4] =	ssyncset.s32 $0xFFFFF086  }
0x25: {  	[simem:s6], [sflag:s4] =	dma.local [hbm:s3], $0xF7A  }
0x26: {  	[smem:$0x3F9B] =	sst s1;
	(tag) =	ssettag s2;
	_ =	strace s9  }
0x27: {  	s1 =	sld [smem:$0x3FAB]  }
0x28: {  	s2 =	sld [smem:$0x3FAC]  }
0x29: {  	s4 =	sld [smem:$0x3FAE]  }
0x2a: {  	p0 =	seq.s32 s5, $0x0;
	s5 =	sld [smem:$0x3FAF]  }
0x2b: {  	s6 =	sld [smem:$0x3FB0]  }
0x2c: {  	s7 =	sld [smem:$0x3FB1]  }
0x2d: {  	s3 =	simm.s32 $0x108;
	s8 =	sld [smem:$0x3FB2]  }
0x2e: {  	s3 =	simm.s32 @!p0 $0x1082;
	s9 =	sld [smem:$0x3FB3]  }
0x2f: {  	lr =	sadd.s32 s0, s3;
	s0 =	sld [smem:$0x3FAA]  }
0x30: {  	s3 =	sld [smem:$0x3FAD]  }
0x31: {  	[smem:$0x3FB6] =	sst s10  }
0x32: {  	s10 =	sld [smem:$0x3FB4];
	_ =	sdelay $0x3  }
0x33: {  	p0 =	seq.s32 s10, $0x1;
	s10 =	sld [smem:$0x3FB6];
	_ =	sdelay $0x3  }
0x34: {  	[smem:$0x3FB6] =	sst s10  }
0x35: {  	s10 =	sld [smem:$0x3FB5];
	_ =	sdelay $0x3  }
0x36: {  	p1 =	seq.s32 s10, $0x1;
	s10 =	sld [smem:$0x3FB6];
	_ =	sdelay $0x3  }
0x37: {  	[smem:$0x3FB6] =	sst s10  }
0x38: {  	s10 =	sld [smem:$0x3FB7]  }
0x39: {  	_ = 	snop;
	(pc) =	sbr.ind lr, $3  }
0x3a: {  	_ = 	snop  }
0x3b: {  	_ = 	snop  }
0x3c: {  	p2 =	seq.s32 s10, $0x1;
	s10 =	sld [smem:$0x3FB6]  }
0x3d: {  	_ =	shalt  }
0x3e: {  	_ =	shalt  }
0x3f: {  	_ =	shalt  }
0x40: {  	_ =	shalt  }
0x41: {  	_ =	shalt  }
0x42: {  	_ =	shalt  }
0x43: {  	_ =	shalt  }
0x44: {  	_ =	shalt  }
0x45: {  	_ =	shalt  }
0x46: {  	_ =	shalt  }
0x47: {  	_ =	shalt  }
0x48: {  	_ =	shalt  }
0x49: {  	_ =	shalt  }
0x4a: {  	_ =	shalt  }
0x4b: {  	_ =	shalt  }
0x4c: {  	_ =	shalt  }
0x4d: {  	_ =	shalt  }
0x4e: {  	_ =	shalt  }
0x4f: {  	_ =	shalt  }
0x50: {  	_ =	shalt  }
0x51: {  	_ =	shalt  }
0x52: {  	_ =	shalt  }
0x53: {  	_ =	shalt  }
0x54: {  	_ =	shalt  }
0x55: {  	_ =	shalt  }
0x56: {  	_ =	shalt  }
0x57: {  	_ =	shalt  }
0x58: {  	_ =	shalt  }
0x59: {  	_ =	shalt  }
0x5a: {  	_ =	shalt  }
0x5b: {  	_ =	shalt  }
0x5c: {  	_ =	shalt  }
0x5d: {  	_ =	shalt  }
0x5e: {  	_ =	shalt  }
0x5f: {  	_ =	shalt  }
0x60: {  	_ =	shalt  }
0x61: {  	_ =	shalt  }
0x62: {  	_ =	shalt  }
0x63: {  	_ =	shalt  }
0x64: {  	_ =	shalt  }
0x65: {  	_ =	shalt  }
0x66: {  	_ =	shalt  }
0x67: {  	_ =	shalt  }
0x68: {  	_ =	shalt  }
0x69: {  	_ =	shalt  }
0x6a: {  	_ =	shalt  }
0x6b: {  	_ =	shalt  }
0x6c: {  	_ =	shalt  }
0x6d: {  	_ =	shalt  }
0x6e: {  	_ =	shalt  }
0x6f: {  	_ =	shalt  }
0x70: {  	_ =	shalt  }
0x71: {  	_ =	shalt  }
0x72: {  	_ =	shalt  }
0x73: {  	_ =	shalt  }
0x74: {  	_ =	shalt  }
0x75: {  	_ =	shalt  }
0x76: {  	_ =	shalt  }
0x77: {  	_ =	shalt  }
0x78: {  	_ =	shalt  }
0x79: {  	_ =	shalt  }
0x7a: {  	_ =	shalt  }
0x7b: {  	_ =	shalt  }
0x7c: {  	_ =	shalt  }
0x7d: {  	_ =	shalt  }
0x7e: {  	_ =	shalt  }
0x7f: {  	_ =	shalt  }
0x80: {  	_ =	shalt  }
0x81: {  	_ =	shalt  }
0x82: {  	_ =	shalt  }
0x83: {  	_ =	shalt  }
0x84: {  	_ =	shalt  }
0x85: {  	_ =	shalt  }
0x86: {  	_ =	shalt  }
0x87: {  	_ =	shalt  }
.Lfunc_end0:
.L_simem_size_0:
called_computation_lowered:
.L_overlay_start_0:
0x88: {  	s2 =	sld [smem:$0x3FD9]  }
0x89: {  	s3 =	sld [smem:$0x3FFE];
	_ =	sdelay $0x1  }
0x8a: {  	s1 =	srdreg.scid  }
0x8b: {  	s0 =	sand.u32 $0x1, s1  }
0x8c: {  	s17 =	sshll.u32 s0, $0xA;
	s2 =	sadd.s32 s3, s2  }
0x8d: {  	s2 =	sadd.s32 s2, s17  }
0x8e: {  	[smem:$0x3FC2] =	sst s2  }
0x8f: {  	_ = 	snop  }
0x90: {  	(tm) =	ssettm $0x1  }
0x91: {  	s18 =	sld [smem:$0x3FFB];
	_ =	sdelay $0x3  }
0x92: {  	_ =	strace s18  }
0x93: {  	s2 =	sld [smem:$0x3FFC];
	_ =	sdelay $0x3  }
0x94: {  	_ =	strace s2  }
0x95: {  	s2 =	sld [smem:$0x3FFD];
	_ =	sdelay $0x3  }
0x96: {  	_ =	strace s2  }
0x97: {  	_ =	strace $0x8FFFFFFF  }
0x98: {  	s19 =	sld [smem:$0x3FDB];
	_ =	sdelay $0x1  }
0x99: {  	s20 =	simm.s32 $_scs_section_size  }
0x9a: {  	s4 =	simm.s32 $_size__tile_overlayer_lowered;
	s5 =	simm.s32 $_tile_overlayer_lowered  }
0x9b: {  	s6 =	simm.s32 $0x1BFF;
	s21 =	sshll.u32 s5, $0x1;
	s3 =	sadd.s32 s20, s19  }
0x9c: {  	s22 =	simm.s32 $0x0;
	s4 =	sshll.u32 s4, $0x1;
	s5 =	sadd.s32 s21, s3  }
0x9d: {  	[timem:s22], [sflag:s6] =	dma.local [hbm:s5], s4  }
0x9e: {  	_ =	swait.ge [sflag:s6], s4  }
0x9f: {  	s4 =	ssub.s32 $0x0, s4;
	[sflag:s6] =	ssyncset.done $0x0  }
0xa0: {  	[sflag:s6] =	ssyncadd.s32 s4;
	_ =	sdelay $0x1  }
0xa1: {  	s23 =	simm.s32 $0x1B8B  }
0xa2: {  	_ =	swait.ge [sflag:s23], $0x1  }
0xa3: {  	[sflag:s23] =	ssyncset.done $0x0  }
0xa4: {  	[sflag:s23] =	ssyncadd.s32 $0xFFFFFFFF  }
0xa5: {  	s4 =	sld [smem:$0x0]  }
0xa6: {  	s5 =	sand.u32 $0xFFFFFFFE, s1  }
0xa7: {  	p0 =	sne.s32 s1, s5  }
0xa8: {  	s5 =	sshll.u32 @p0 s5, $0xE  }
0xa9: {  	s5 =	sadd.s32 @p0 $0x11B8D, s5;
	s6 =	sshll.u32 @p0 s4, $0x11  }
0xaa: {  	s5 =	sor.u32 @p0 s6, s5  }
0xab: {  	[sflag:s5] =	ssyncadd.remote.s32 @p0 $0x1;
	_ =	sdelay $0x1  }
0xac: {  	s5 =	simm.s32 @p0 $0x1B8D  }
0xad: {  	_ =	swait.eq @p0 [sflag:s5], $0x1  }
0xae: {  	[sflag:s5] =	ssyncadd.s32 @p0 $0xFFFFFFFF  }
0xaf: {  	s6 =	sshll.u32 @!p0 s1, $0xE  }
0xb0: {  	s6 =	sor.u32 @!p0 $0x4000, s6;
	s5 =	simm.s32 @!p0 $0x1B8D  }
0xb1: {  	s4 =	sshll.u32 @!p0 s4, $0x11;
	s6 =	sadd.s32 @!p0 $0x11B8D, s6;
	_ =	swait.eq @!p0 [sflag:s5], $0x1  }
0xb2: {  	s4 =	sor.u32 @!p0 s4, s6;
	[sflag:s5] =	ssyncadd.s32 @!p0 $0xFFFFFFFF  }
0xb3: {  	s25 =	simm.s32 $0x1B8E;
	s24 =	sld [smem:$0x3FFE];
	[sflag:s4] =	ssyncadd.remote.s32 @!p0 $0x1  }
0xb4: {  	s26 =	simm.s32 $execute0_lowered;
	[smem:$0x3FD2] =	sst s25  }
0xb5: {  	s5 =	sshll.u32 s26, $0x1;
	_ =	strace $0x80000049;
	[dreg:$0x1] =	wrdreg $0xFFFFFFFF  }
0xb6: {  	s28 =	simm.s32 $_size_execute0_lowered;
	s3 =	sadd.s32 s3, s5;
	[dreg:$0x0] =	wrdreg $0x0  }
0xb7: {  	s5 =	sshll.u32 s28, $0x1;
	[dreg:$0x2] =	wrdreg s3  }
0xb8: {  	[dreg:$0x3] =	wrdreg s5  }
0xb9: {  	[dreg:$0x4] =	wrdreg $0xC0  }
0xba: {  	_ =	task [dreg:s22], $0x5FFFF  }
0xbb: {  	[dreg:$0x1] =	wrdreg $0xFFFFFFFF  }
0xbc: {  	[dreg:$0x0] =	wrdreg $0x60  }
0xbd: {  	[dreg:$0x2] =	wrdreg s24  }
0xbe: {  	[dreg:$0x3] =	wrdreg $0x54000  }
0xbf: {  	[dreg:$0x4] =	wrdreg $0x9  }
0xc0: {  	_ =	task.clear_ibuf [dreg:s22], $0x5FFFF;
	_ =	strace $0x90000049  }
0xc1: {  	s29 =	simm.s32 $0x9;
	_ =	strace $0x8000004B  }
0xc2: {  	_ =	swait.ge [sflag:s29], $0x1  }
0xc3: {  	[sflag:s29] =	ssyncadd.s32 $0xFFFFFFFF  }
0xc4: {  	_ =	strace $0x9000004B  }
0xc5: {  	_ =	sfence  }
0xc6: {  	s30 =	sld [smem:$0x0];
	_ =	sdelay $0x2  }
0xc7: {  	s31 =	sshll.u32 s1, $0xD;
	s1 =	sshrl.u32 s1, $0x2  }
0xc8: {  	s4 =	sand.u32 $0x4000, s31;
	s1 =	sadd.s32 s1, s30  }
0xc9: {  	s0 =	sor.u32 s4, s0;
	s1 =	sshll.u32 s1, $0x11  }
0xca: {  	s0 =	sor.u32 s1, s0  }
0xcb: {  	s0 =	sadd.s32 $0x8F2B, s0  }
0xcc: {  	[sflag:s0] =	ssyncadd.remote.s32 $0x1  }
0xcd: {  	_ =	sfence.sel $0xFFFF  }
0xce: {  	[dreg:$0x0] =	wrdreg $0xFFFFFFFF;
	(pc) =	sbr.abs _section_cstart, $3  }
0xcf: {  	[dreg:$0x1] =	wrdreg $0xFFFFFFFF  }
0xd0: {  	_ =	task.clear_ibuf [dreg:s22], $0x2FFFF;
	_ =	strace $0x9FFFFFFF  }
0xd1: {  	(tm) =	ssettm $0x7FFFFFFF  }
tec
execute0_lowered:
.L_overlay_start_1:
0x0: {  	(tag) =	ssettag $0x1  }
0x1: {  	s0 =	srdreg.scid;
	s5 =	rddreg [dreg:$0x0]  }
0x2: {  	s2 =	rddreg [dreg:$0x1];
	s4 =	sand.u32 $0x1, s0;
	s0 =	stileid.u32  }
0x3: {  	s3 =	simm.s32 $0x0;
	s14 =	simm.s32 $0x0;
	s7 =	smul.u32 $0x14000, s0  }
0x4: {  	[smem:$0x7FF] =	sst s3;
	s1 =	sshll.u32 s4, $0x4;
	s9 =	smul.u32 $0x140000, s4  }
0x5: {  	s28 =	ssub.s32 $0x2, s4;
	s29 =	smul.u32 $0x50000, s0;
	s4 =	sadd.s32 $0xA46800, s5  }
0x6: {  	s31 =	sshll.u32 s0, $0x6;
	s6 =	sor.u32 s0, s1;
	s1 =	rddreg [dreg:$0x2]  }
0x7: {  	_ =	strace $0x8000004A;
	s11 =	sshrl.u32 s28, $0x1;
	s6 =	smul.u32 $0x280, s6  }
0x8: {  	s8 =	sshrl.u32 s7, $0x3;
	s7 =	sadd.s32 s7, s9;
	s11 =	ssub.s32 s28, s11  }
0x9: {  	s30 =	sshrl.u32 s29, $0x2;
	s26 =	sadd.s32 s8, s5;
	s7 =	sshrl.u32 s7, $0x3  }
0xa: {  	s13 =	sadd.s32 s30, s2;
	s9 =	smax.u32 s11, $0x1;
	s11 =	simm.s32 $0x1  }
0xb: {  	s10 =	sadd.s32 s6, s5;
	s12 =	sadd.s32 s7, s5;
	s5 =	sadd.s32 $0x9CE800, s26  }
0xc: {  	s6 =	sor.u32 $0x1C01, s31;
	s7 =	sadd.s32 $0x5800, s10;
	s8 =	sadd.s32 $0xA47000, s12  }
0xd: {  	s10 =	sshrl.u32 s13, $0x3;
	s12 =	simm.s32 $0x1400;
	s13 =	simm.s32 $0x80  }
.LBB2_1:
0xe: {  	[spmem:s10], [sflag:s6] =	dma.local [hbm:s5], $0x2800  }
0xf: {  	_ =	swait.ge [sflag:s11], $0x2800  }
0x10: {  	[sflag:s11] =	ssyncset.done $0x0  }
0x11: {  	[sflag:s11] =	ssyncadd.s32 $0xFFFFD800  }
0x12: {  	[tilespmem:s3], [sflag:$0x1] =	stream.linear.gather [hbm4b:s7+s3], $0x1400, $0x38;
	[tilespmem:$0x19400] =	vst v63  }
0x13: {  	_ =	swait.ge [sflag:s11], $0x1400  }
0x14: {  	[sflag:s11] =	ssyncset.done $0x0  }
0x15: {  	[sflag:s11] =	ssyncadd.s32 $0xFFFFEC00  }
0x16: {  	[tilespmem:s12], [sflag:$0x1] =	stream.linear.gather [hbm4b:s4+s3], $0x4000, $0x38;
	[tilespmem:$0x19400] =	vst v63  }
0x17: {  	_ =	swait.ge [sflag:s11], $0x4000  }
0x18: {  	[sflag:s11] =	ssyncset.done $0x0  }
0x19: {  	[sflag:s11] =	ssyncadd.s32 $0xFFFFC000  }
0x1a: {  	s15 =	simm.s32 $0x0;
	[bflag:$0x0] =	sbarrier.arrive $0xFFFF  }
0x1b: {  	[spmem:s2] =	stream.indirect.scatter.add.f32 [tilespmem:s12], [sflag:$0x1], $0x80, s15, s13, $0xb8;
	[tilespmem:$0x19400] =	vst v63  }
0x1c: {  	_ =	swait.ge [sflag:s11], $0x4000  }
0x1d: {  	s15 =	simm.s32 $0x200;
	[sflag:s11] =	ssyncset.done $0x0  }
.LBB2_2:
0x1e: {  	s16 =	sshra.s32 s15, $0x2;
	[sflag:s11] =	ssyncadd.s32 $0xFFFFC000;
	p0 =	sne.s32 s15, $0x4E00  }
0x1f: {  	[spmem:s2] =	stream.indirect.scatter.add.f32 [tilespmem:s12], [sflag:$0x1], $0x80, s16, s13, $0xb8;
	[tilespmem:$0x19400] =	vst v63  }
.Ltmp0:
0x20: {  	_ = 	snop;
	(pc) =	sbr.rel @p0 .LBB2_2-.Ltmp0, $4  }
0x21: {  	_ = 	snop  }
0x22: {  	s15 =	sadd.s32 $0x200, s15  }
0x23: {  	_ =	swait.ge [sflag:s11], $0x4000  }
0x24: {  	[sflag:s11] =	ssyncset.done $0x0  }
0x25: {  	s14 =	sadd.s32 $0x1, s14  }
0x26: {  	[sflag:s11] =	ssyncadd.s32 $0xFFFFC000;
	p0 =	sne.s32 s14, s9  }
.Ltmp1:
0x27: {  	[bflag:$0x0] =	sbarrier.arrive $0xFFFF;
	(pc) =	sbr.rel @p0 .LBB2_1-.Ltmp1, $4  }
0x28: {  	[hbm:s8], [sflag:s6] =	dma.local [spmem:s10], $0x2800  }
0x29: {  	_ =	swait.ge [sflag:s11], $0x2800  }
0x2a: {  	[sflag:s11] =	ssyncset.done $0x0  }
0x2b: {  	[sflag:s11] =	ssyncadd.s32 $0xFFFFD800  }
0x2c: {  	_ =	sfence.sel $0x180000  }
0x2d: {  	[bflag:$0x0] =	sbarrier.arrive $0xFFFF  }
0x2e: {  	p0 =	sne.s32 s0, $0x0;
	_ =	strace $0x9000004A  }
0x2f: {  	s0 =	sadd.s32 @!p0 $0x100000, s1;
	[bflag:$0x2] =	sbarrier.arrive $0xFFFF  }
0x30: {  	[sflag:s0] =	ssyncadd.tile.s32 @!p0 $0x1;
	_ =	shalt  }
.Lfunc_end2:
_tile_overlayer_lowered:
.L_overlay_start_2:
0x31: {  	(tag) =	ssettag $0x2  }
0x32: {  	s0 =	rddreg [dreg:$0x0];
	s2 =	stileid.u32  }
0x33: {  	s1 =	rddreg [dreg:$0x1];
	p0 =	sne.s32 s2, $0x0  }
0x34: {  	s3 =	rddreg [dreg:$0x2];
	[bflag:$0x3] =	sbarrier.arrive $0xFFFF;
	s2 =	simm.s32 @!p0 $0x1C01  }
0x35: {  	[timem:s3], [sflag:s2] =	dma.local @!p0 [hbm:s0], s1  }
0x36: {  	s0 =	simm.s32 @!p0 $0x1  }
0x37: {  	_ =	swait.ge @!p0 [sflag:s0], s1  }
0x38: {  	s1 =	ssub.s32 @!p0 $0x0, s1;
	[sflag:s0] =	ssyncset.done @!p0 $0x0  }
0x39: {  	[sflag:s0] =	ssyncadd.s32 @!p0 s1  }
0x3a: {  	[bflag:$0x3] =	sbarrier.arrive $0xFFFF  }
0x3b: {  	_ =	shalt  }

// kernel: kernel.9.cloned.1.call-start
scs
__scs_entry_jumppad:
0x0: {  	(pc) =	sbr.rel $0x88, $3  }
0x1: {  	(tag) =	ssettag $0x0;
	lr =	simm.s32 $0x1  }
0x2: {  	[smem:$0x3F9B] =	sst lr;
	_ =	strace $0xD0000000  }
0x3: {  	_ = 	snop  }
0x4: {  	_ = 	snop  }
0x5: {  	_ = 	snop  }
0x6: {  	_ = 	snop  }
0x7: {  	_ = 	snop  }
__scs_overlays_trampoline_lowered:
0x8: {  	[smem:$0x3FAA] =	sst s0  }
0x9: {  	[smem:$0x3FAB] =	sst s1  }
0xa: {  	[smem:$0x3FAC] =	sst s2  }
0xb: {  	[smem:$0x3FAD] =	sst s3  }
0xc: {  	[smem:$0x3FAE] =	sst s4  }
0xd: {  	[smem:$0x3FAF] =	sst s5  }
0xe: {  	[smem:$0x3FB0] =	sst s6  }
0xf: {  	[smem:$0x3FB1] =	sst s7  }
0x10: {  	[smem:$0x3FB2] =	sst s8  }
0x11: {  	[smem:$0x3FB3] =	sst s9;
	s0 =	simm.s32 @!p0 $0x0  }
0x12: {  	s1 =	sld [smem:$0x3F99];
	s0 =	simm.s32 @p0 $0x1  }
0x13: {  	[smem:$0x3FB4] =	sst s0;
	s0 =	simm.s32 @!p1 $0x0  }
0x14: {  	s2 =	sld [smem:$0x3F98];
	s0 =	simm.s32 @p1 $0x1  }
0x15: {  	[smem:$0x3FB5] =	sst s0;
	s0 =	simm.s32 @!p2 $0x0  }
0x16: {  	s3 =	sld [smem:$0x3FDB];
	s0 =	simm.s32 @p2 $0x1  }
0x17: {  	s4 =	simm.s32 $0x1BF5;
	[smem:$0x3FB7] =	sst s0  }
0x18: {  	s0 =	sld [smem:$0x3F9A];
	_ =	swait.ge [sflag:s4], $0x0  }
0x19: {  	s7 =	sld [smem:$0x3F9B]  }
0x1a: {  	s8 =	sadd.s32 $0xFFFFE003, lr  }
0x1b: {  	s9 =	sadd.s32 $0xFFFFFEF7, lr;
	s5 =	simm.s32 $0xFFFFFFFF;
	p2 =	slt.u32 s8, $0xFFFFF086  }
0x1c: {  	p1 =	slt.u32 s9, $0xF7A;
	s5 =	simm.s32 @!p2 $0x0  }
0x1d: {  	s5 =	simm.s32 @p1 $0x1;
	p0 =	seq.s32 s7, s2  }
0x1e: {  	s7 =	smul.u32 @!p0 $0xF7A, s2;
	p2 =	seq.s32 @!p0 s5, $0x0  }
0x1f: {  	s9 =	smul.u32 $0xF7A, s1;
	s8 =	simm.s32 @!p0 $0x1BF5;
	p2 =	por !p2, p0  }
0x20: {  	[sflag:s8] =	ssyncset.s32 @!p0 $0xFFFFF086;
	s6 =	sadd.s32 @!p0 s3, s7;
	s7 =	simm.s32 @!p0 $0x108  }
0x21: {  	s3 =	sadd.s32 s3, s9;
	s6 =	sadd.s32 @!p0 $0x88, s6;
	s7 =	simm.s32 @p2 $0x1082  }
0x22: {  	[simem:s7], [sflag:s8] =	dma.local @!p0 [hbm:s6], $0xF7A  }
0x23: {  	s9 =	sor.u32 $0xD0000000, s2;
	s6 =	simm.s32 $0x108;
	_ =	swait.ge @!p0 [sflag:s8], $0x0  }
0x24: {  	s3 =	sadd.s32 $0x88, s3;
	s6 =	simm.s32 @!p1 $0x1082;
	[sflag:s4] =	ssyncset.s32 $0xFFFFF086  }
0x25: {  	[simem:s6], [sflag:s4] =	dma.local [hbm:s3], $0xF7A  }
0x26: {  	[smem:$0x3F9B] =	sst s1;
	(tag) =	ssettag s2;
	_ =	strace s9  }
0x27: {  	s1 =	sld [smem:$0x3FAB]  }
0x28: {  	s2 =	sld [smem:$0x3FAC]  }
0x29: {  	s4 =	sld [smem:$0x3FAE]  }
0x2a: {  	p0 =	seq.s32 s5, $0x0;
	s5 =	sld [smem:$0x3FAF]  }
0x2b: {  	s6 =	sld [smem:$0x3FB0]  }
0x2c: {  	s7 =	sld [smem:$0x3FB1]  }
0x2d: {  	s3 =	simm.s32 $0x108;
	s8 =	sld [smem:$0x3FB2]  }
0x2e: {  	s3 =	simm.s32 @!p0 $0x1082;
	s9 =	sld [smem:$0x3FB3]  }
0x2f: {  	lr =	sadd.s32 s0, s3;
	s0 =	sld [smem:$0x3FAA]  }
0x30: {  	s3 =	sld [smem:$0x3FAD]  }
0x31: {  	[smem:$0x3FB6] =	sst s10  }
0x32: {  	s10 =	sld [smem:$0x3FB4];
	_ =	sdelay $0x3  }
0x33: {  	p0 =	seq.s32 s10, $0x1;
	s10 =	sld [smem:$0x3FB6];
	_ =	sdelay $0x3  }
0x34: {  	[smem:$0x3FB6] =	sst s10  }
0x35: {  	s10 =	sld [smem:$0x3FB5];
	_ =	sdelay $0x3  }
0x36: {  	p1 =	seq.s32 s10, $0x1;
	s10 =	sld [smem:$0x3FB6];
	_ =	sdelay $0x3  }
0x37: {  	[smem:$0x3FB6] =	sst s10  }
0x38: {  	s10 =	sld [smem:$0x3FB7]  }
0x39: {  	_ = 	snop;
	(pc) =	sbr.ind lr, $3  }
0x3a: {  	_ = 	snop  }
0x3b: {  	_ = 	snop  }
0x3c: {  	p2 =	seq.s32 s10, $0x1;
	s10 =	sld [smem:$0x3FB6]  }
0x3d: {  	_ =	shalt  }
0x3e: {  	_ =	shalt  }
0x3f: {  	_ =	shalt  }
0x40: {  	_ =	shalt  }
0x41: {  	_ =	shalt  }
0x42: {  	_ =	shalt  }
0x43: {  	_ =	shalt  }
0x44: {  	_ =	shalt  }
0x45: {  	_ =	shalt  }
0x46: {  	_ =	shalt  }
0x47: {  	_ =	shalt  }
0x48: {  	_ =	shalt  }
0x49: {  	_ =	shalt  }
0x4a: {  	_ =	shalt  }
0x4b: {  	_ =	shalt  }
0x4c: {  	_ =	shalt  }
0x4d: {  	_ =	shalt  }
0x4e: {  	_ =	shalt  }
0x4f: {  	_ =	shalt  }
0x50: {  	_ =	shalt  }
0x51: {  	_ =	shalt  }
0x52: {  	_ =	shalt  }
0x53: {  	_ =	shalt  }
0x54: {  	_ =	shalt  }
0x55: {  	_ =	shalt  }
0x56: {  	_ =	shalt  }
0x57: {  	_ =	shalt  }
0x58: {  	_ =	shalt  }
0x59: {  	_ =	shalt  }
0x5a: {  	_ =	shalt  }
0x5b: {  	_ =	shalt  }
0x5c: {  	_ =	shalt  }
0x5d: {  	_ =	shalt  }
0x5e: {  	_ =	shalt  }
0x5f: {  	_ =	shalt  }
0x60: {  	_ =	shalt  }
0x61: {  	_ =	shalt  }
0x62: {  	_ =	shalt  }
0x63: {  	_ =	shalt  }
0x64: {  	_ =	shalt  }
0x65: {  	_ =	shalt  }
0x66: {  	_ =	shalt  }
0x67: {  	_ =	shalt  }
0x68: {  	_ =	shalt  }
0x69: {  	_ =	shalt  }
0x6a: {  	_ =	shalt  }
0x6b: {  	_ =	shalt  }
0x6c: {  	_ =	shalt  }
0x6d: {  	_ =	shalt  }
0x6e: {  	_ =	shalt  }
0x6f: {  	_ =	shalt  }
0x70: {  	_ =	shalt  }
0x71: {  	_ =	shalt  }
0x72: {  	_ =	shalt  }
0x73: {  	_ =	shalt  }
0x74: {  	_ =	shalt  }
0x75: {  	_ =	shalt  }
0x76: {  	_ =	shalt  }
0x77: {  	_ =	shalt  }
0x78: {  	_ =	shalt  }
0x79: {  	_ =	shalt  }
0x7a: {  	_ =	shalt  }
0x7b: {  	_ =	shalt  }
0x7c: {  	_ =	shalt  }
0x7d: {  	_ =	shalt  }
0x7e: {  	_ =	shalt  }
0x7f: {  	_ =	shalt  }
0x80: {  	_ =	shalt  }
0x81: {  	_ =	shalt  }
0x82: {  	_ =	shalt  }
0x83: {  	_ =	shalt  }
0x84: {  	_ =	shalt  }
0x85: {  	_ =	shalt  }
0x86: {  	_ =	shalt  }
0x87: {  	_ =	shalt  }
.Lfunc_end0:
.L_simem_size_0:
called_computation.1_lowered:
.L_overlay_start_0:
0x88: {  	s2 =	sld [smem:$0x3FD9]  }
0x89: {  	s3 =	sld [smem:$0x3FFE];
	_ =	sdelay $0x1  }
0x8a: {  	s1 =	srdreg.scid  }
0x8b: {  	s0 =	sand.u32 $0x1, s1  }
0x8c: {  	s17 =	sshll.u32 s0, $0xA;
	s2 =	sadd.s32 s3, s2  }
0x8d: {  	s2 =	sadd.s32 s2, s17  }
0x8e: {  	[smem:$0x3FC2] =	sst s2  }
0x8f: {  	_ = 	snop  }
0x90: {  	s2 =	sld [smem:$0x3FD0];
	(tm) =	ssettm $0x1  }
0x91: {  	s18 =	sld [smem:$0x3FFB];
	_ =	sdelay $0x3  }
0x92: {  	_ =	strace s18  }
0x93: {  	s3 =	sld [smem:$0x3FFC];
	_ =	sdelay $0x3  }
0x94: {  	_ =	strace s3  }
0x95: {  	s3 =	sld [smem:$0x3FFD];
	_ =	sdelay $0x3  }
0x96: {  	_ =	strace s3  }
0x97: {  	_ =	strace $0x8FFFFFFF  }
0x98: {  	s19 =	sld [smem:$0x3FDB];
	_ =	sdelay $0x1  }
0x99: {  	s4 =	simm.s32 $_scs_section_size  }
0x9a: {  	s5 =	simm.s32 $_size__tile_overlayer_lowered;
	s6 =	simm.s32 $_tile_overlayer_lowered  }
0x9b: {  	s22 =	simm.s32 $0x1BFF;
	s21 =	sshll.u32 s6, $0x1;
	s3 =	sadd.s32 s4, s19  }
0x9c: {  	s7 =	simm.s32 $0x0;
	s20 =	sshll.u32 s5, $0x1;
	s5 =	sadd.s32 s21, s3  }
0x9d: {  	[timem:s7], [sflag:s22] =	dma.local [hbm:s5], s20  }
0x9e: {  	_ =	swait.ge [sflag:s22], s20  }
0x9f: {  	s4 =	ssub.s32 $0x0, s20;
	[sflag:s22] =	ssyncset.done $0x0  }
0xa0: {  	[sflag:s22] =	ssyncadd.s32 s4;
	_ =	sdelay $0x1  }
0xa1: {  	s23 =	simm.s32 $0x1B8B  }
0xa2: {  	_ =	swait.ge [sflag:s23], $0x1  }
0xa3: {  	[sflag:s23] =	ssyncset.done $0x0  }
0xa4: {  	s25 =	simm.s32 $0x1B8E;
	s24 =	sld [smem:$0x3FFE];
	[sflag:s23] =	ssyncadd.s32 $0xFFFFFFFF  }
0xa5: {  	s26 =	simm.s32 $execute0_lowered;
	[smem:$0x3FD2] =	sst s25  }
0xa6: {  	s5 =	sshll.u32 s26, $0x1;
	_ =	strace $0x80000046;
	[dreg:$0x1] =	wrdreg $0xFFFFFFFF  }
0xa7: {  	s28 =	simm.s32 $_size_execute0_lowered;
	s3 =	sadd.s32 s3, s5;
	[dreg:$0x0] =	wrdreg $0x0  }
0xa8: {  	s5 =	sshll.u32 s28, $0x1;
	[dreg:$0x2] =	wrdreg s3  }
0xa9: {  	[dreg:$0x3] =	wrdreg s5  }
0xaa: {  	[dreg:$0x4] =	wrdreg $0xC0  }
0xab: {  	_ =	task [dreg:s7], $0x5FFFF  }
0xac: {  	[dreg:$0x1] =	wrdreg $0xFFFFFFFF  }
0xad: {  	[dreg:$0x0] =	wrdreg $0x60  }
0xae: {  	[dreg:$0x2] =	wrdreg s2  }
0xaf: {  	[dreg:$0x3] =	wrdreg s24  }
0xb0: {  	[dreg:$0x4] =	wrdreg $0xA8000  }
0xb1: {  	[dreg:$0x5] =	wrdreg $0xA  }
0xb2: {  	_ =	task.clear_ibuf [dreg:s7], $0x6FFFF;
	_ =	strace $0x90000046  }
0xb3: {  	s29 =	simm.s32 $0xA;
	_ =	strace $0x80000048  }
0xb4: {  	_ =	swait.ge [sflag:s29], $0x1  }
0xb5: {  	[sflag:s29] =	ssyncadd.s32 $0xFFFFFFFF  }
0xb6: {  	_ =	strace $0x90000048  }
0xb7: {  	_ =	sfence  }
0xb8: {  	s30 =	sld [smem:$0x0];
	_ =	sdelay $0x2  }
0xb9: {  	s31 =	sshll.u32 s1, $0xD;
	s1 =	sshrl.u32 s1, $0x2  }
0xba: {  	s3 =	sand.u32 $0x4000, s31;
	s1 =	sadd.s32 s1, s30  }
0xbb: {  	s0 =	sor.u32 s3, s0;
	s1 =	sshll.u32 s1, $0x11  }
0xbc: {  	s0 =	sor.u32 s1, s0  }
0xbd: {  	s0 =	sadd.s32 $0x8F2B, s0  }
0xbe: {  	[sflag:s0] =	ssyncadd.remote.s32 $0x1  }
0xbf: {  	_ =	sfence.sel $0xFFFF  }
0xc0: {  	[dreg:$0x0] =	wrdreg $0xFFFFFFFF;
	(pc) =	sbr.abs _section_cstart, $3  }
0xc1: {  	[dreg:$0x1] =	wrdreg $0xFFFFFFFF  }
0xc2: {  	_ =	task.clear_ibuf [dreg:s7], $0x2FFFF;
	_ =	strace $0x9FFFFFFF  }
0xc3: {  	(tm) =	ssettm $0x7FFFFFFF  }
tec
execute0_lowered:
.L_overlay_start_1:
0x0: {  	(tag) =	ssettag $0x1  }
0x1: {  	s7 =	rddreg [dreg:$0x0]  }
0x2: {  	s0 =	srdreg.scid;
	s6 =	rddreg [dreg:$0x1]  }
0x3: {  	s2 =	rddreg [dreg:$0x2];
	s3 =	simm.s32 $0x0;
	s16 =	simm.s32 $0x2800  }
0x4: {  	s17 =	simm.s32 $0x6800;
	s5 =	sand.u32 $0x1, s0;
	s0 =	stileid.u32  }
0x5: {  	s18 =	simm.s32 $0x1;
	s19 =	simm.s32 $0x2;
	s9 =	smul.u32 $0x14000, s0  }
0x6: {  	s20 =	simm.s32 $0x0;
	[smem:$0x7FF] =	sst s3;
	s10 =	smul.u32 $0x140000, s5  }
0x7: {  	s1 =	sshll.u32 s5, $0x4;
	s5 =	ssub.s32 $0x2, s5;
	s29 =	smul.u32 $0x50000, s0  }
0x8: {  	s31 =	sshll.u32 s0, $0x6;
	s4 =	sor.u32 s0, s1;
	s1 =	rddreg [dreg:$0x3]  }
0x9: {  	_ =	strace $0x80000047;
	s13 =	sshrl.u32 s5, $0x1;
	s8 =	smul.u32 $0x280, s4  }
0xa: {  	s4 =	sadd.s32 $0xA800, s6;
	s12 =	sshrl.u32 s9, $0x3;
	s9 =	sadd.s32 s9, s10  }
0xb: {  	s13 =	ssub.s32 s5, s13;
	s30 =	sshrl.u32 s29, $0x2;
	s12 =	sadd.s32 s12, s6  }
0xc: {  	s9 =	sshrl.u32 s9, $0x3;
	s15 =	sadd.s32 s30, s2;
	s11 =	sadd.s32 s8, s6  }
0xd: {  	s14 =	sadd.s32 s9, s6;
	s5 =	sadd.s32 $0x9CE800, s12;
	s6 =	sor.u32 $0x1C03, s31  }
0xe: {  	s7 =	sadd.s32 s7, s8;
	s12 =	sshrl.u32 s15, $0x3;
	s15 =	simm.s32 $0x80  }
0xf: {  	s8 =	sadd.s32 $0x800, s11;
	s9 =	sadd.s32 $0x5800, s11;
	s10 =	sadd.s32 $0x9F6800, s14  }
0x10: {  	s11 =	smax.u32 s13, $0x1;
	s13 =	simm.s32 $0x3;
	s14 =	simm.s32 $0x1400  }
.LBB2_1:
0x11: {  	[spmem:s12], [sflag:s6] =	dma.local [hbm:s5], $0x2800  }
0x12: {  	_ =	swait.ge [sflag:s13], $0x2800  }
0x13: {  	[sflag:s13] =	ssyncset.done $0x0  }
0x14: {  	[sflag:s13] =	ssyncadd.s32 $0xFFFFD800  }
0x15: {  	[tilespmem:s14], [sflag:$0x3] =	stream.linear.gather [hbm4b:s7+s3], $0x1400, $0x38;
	[tilespmem:$0x1E800] =	vst v63  }
0x16: {  	_ =	swait.ge [sflag:s13], $0x1400  }
0x17: {  	[sflag:s13] =	ssyncset.done $0x0  }
0x18: {  	[sflag:s13] =	ssyncadd.s32 $0xFFFFEC00  }
0x19: {  	[tilespmem:s3], [sflag:$0x3] =	stream.linear.gather [hbm4b:s8+s3], $0x1400, $0x38;
	[tilespmem:$0x1E800] =	vst v63  }
0x1a: {  	_ =	swait.ge [sflag:s13], $0x1400  }
0x1b: {  	[sflag:s13] =	ssyncset.done $0x0  }
0x1c: {  	s21 =	simm.s32 $0x0;
	[sflag:s13] =	ssyncadd.s32 $0xFFFFEC00  }
0x1d: {  	v6 =	vld [tilespmem:s21+$0x0]  }
0x1e: {  	v11 =	vld [tilespmem:s21+$0x10]  }
0x1f: {  	v5 =	vld [tilespmem:s21+$0x20]  }
0x20: {  	v4 =	vld [tilespmem:s21+$0x30]  }
0x21: {  	v3 =	vld [tilespmem:s21+$0x40]  }
0x22: {  	v2 =	vld [tilespmem:s21+$0x50]  }
0x23: {  	v1 =	vld [tilespmem:s21+$0x60]  }
0x24: {  	v0 =	vld [tilespmem:s21+$0x70]  }
0x25: {  	v10 =	vld [tilespmem:s21+$0x1400]  }
0x26: {  	v9 =	vld [tilespmem:s21+$0x1410]  }
0x27: {  	v8 =	vld [tilespmem:s21+$0x1420]  }
0x28: {  	v7 =	vld [tilespmem:s21+$0x1430];
	v12 =	vmul.u32 $0x2710, v6  }
0x29: {  	s22 =	simm.s32 $0x200;
	v11 =	vmul.u32 $0x2710, v11;
	v6 =	vld [tilespmem:s21+$0x1440]  }
.LBB2_2:
0x2a: {  	p0 =	sne.s32 s22, $0x4E00;
	v10 =	vadd.s32 v10, v12;
	v5 =	vmul.u32 $0x2710, v5;
	v12 =	vld [tilespmem:s21+$0x1450]  }
0x2b: {  	v4 =	vmul.u32 $0x2710, v4;
	[tilespmem:s21+$0x1400] =	vst v10;
	v9 =	vadd.s32 v9, v11;
	v10 =	vld [tilespmem:s21+$0x1460]  }
0x2c: {  	s23 =	sshra.s32 s22, $0x2;
	v3 =	vmul.u32 $0x2710, v3;
	[tilespmem:s21+$0x1410] =	vst v9;
	v5 =	vadd.s32 v8, v5;
	v8 =	vld [tilespmem:s21+$0x1470]  }
0x2d: {  	v2 =	vmul.u32 $0x2710, v2;
	v11 =	vld [tilespmem:s23+$0x0];
	[tilespmem:s21+$0x1420] =	vst v5;
	v4 =	vadd.s32 v7, v4  }
0x2e: {  	v1 =	vmul.u32 $0x2710, v1;
	v13 =	vld [tilespmem:s23+$0x10];
	[tilespmem:s21+$0x1430] =	vst v4;
	v3 =	vadd.s32 v6, v3  }
0x2f: {  	v0 =	vmul.u32 $0x2710, v0;
	v5 =	vld [tilespmem:s23+$0x20];
	[tilespmem:s21+$0x1440] =	vst v3;
	v2 =	vadd.s32 v12, v2  }
0x30: {  	v4 =	vld [tilespmem:s23+$0x30];
	[tilespmem:s21+$0x1450] =	vst v2;
	v1 =	vadd.s32 v10, v1  }
0x31: {  	v3 =	vld [tilespmem:s23+$0x40];
	[tilespmem:s21+$0x1460] =	vst v1;
	v0 =	vadd.s32 v8, v0  }
0x32: {  	v2 =	vld [tilespmem:s23+$0x50];
	[tilespmem:s21+$0x1470] =	vst v0;
	s21 =	smov.u32 s23  }
0x33: {  	v1 =	vld [tilespmem:s21+$0x60]  }
0x34: {  	v0 =	vld [tilespmem:s21+$0x70]  }
.Ltmp0:
0x35: {  	v10 =	vld [tilespmem:s21+$0x1400];
	(pc) =	sbr.rel @p0 .LBB2_2-.Ltmp0, $4  }
0x36: {  	v9 =	vld [tilespmem:s21+$0x1410]  }
0x37: {  	v8 =	vld [tilespmem:s21+$0x1420]  }
0x38: {  	v12 =	vmul.u32 $0x2710, v11;
	v7 =	vld [tilespmem:s21+$0x1430]  }
0x39: {  	s22 =	sadd.s32 $0x200, s22;
	v11 =	vmul.u32 $0x2710, v13;
	v6 =	vld [tilespmem:s21+$0x1440]  }
0x3a: {  	v10 =	vadd.s32 v10, v12;
	v61 =	vld [tilespmem:s21+$0x1450];
	v5 =	vmul.u32 $0x2710, v5  }
0x3b: {  	v62 =	vld [tilespmem:s21+$0x1460];
	v4 =	vmul.u32 $0x2710, v4;
	[tilespmem:s21+$0x1400] =	vst v10;
	v9 =	vadd.s32 v9, v11  }
0x3c: {  	v3 =	vmul.u32 $0x2710, v3;
	v63 =	vld [tilespmem:s21+$0x1470];
	[tilespmem:s21+$0x1410] =	vst v9;
	v5 =	vadd.s32 v8, v5  }
0x3d: {  	v2 =	vmul.u32 $0x2710, v2;
	[tilespmem:s21+$0x1420] =	vst v5;
	v4 =	vadd.s32 v7, v4  }
0x3e: {  	v1 =	vmul.u32 $0x2710, v1;
	[tilespmem:s21+$0x1430] =	vst v4;
	v3 =	vadd.s32 v6, v3  }
0x3f: {  	v0 =	vmul.u32 $0x2710, v0;
	[tilespmem:s21+$0x1440] =	vst v3;
	v2 =	vadd.s32 v61, v2  }
0x40: {  	v1 =	vadd.s32 v62, v1;
	[tilespmem:s21+$0x1450] =	vst v2  }
0x41: {  	v0 =	vadd.s32 v63, v0;
	[tilespmem:s21+$0x1460] =	vst v1  }
0x42: {  	s26 =	simm.s32 $0x0;
	[tilespmem:s21+$0x1470] =	vst v0  }
0x43: {  	[tilespmem:s26], [sflag:$0x3] =	stream.linear.gather [hbm4b:s9+s26], $0x1400, $0x38;
	[tilespmem:$0x1E800] =	vst v63  }
0x44: {  	_ =	swait.ge [sflag:s13], $0x1400  }
0x45: {  	[sflag:s13] =	ssyncset.done $0x0  }
0x46: {  	[sflag:s13] =	ssyncadd.s32 $0xFFFFEC00  }
0x47: {  	s28 =	simm.s32 $0x1400;
	[bflag:$0x0] =	sbarrier.arrive $0xFFFF  }
0x48: {  	[tilespmem:s16], [sflag:$0x1] =	stream.indirect.gather [hbm4b:s4+s15], $0x80, s28, s15, $0xb8;
	[tilespmem:$0x1E800] =	vst v63  }
0x49: {  	s29 =	simm.s32 $0x1480  }
0x4a: {  	[tilespmem:s17], [sflag:$0x2] =	stream.indirect.gather [hbm4b:s4+s15], $0x80, s29, s15, $0xb8;
	[tilespmem:$0x1E800] =	vst v63  }
0x4b: {  	_ =	swait.ge [sflag:s18], $0x4000  }
0x4c: {  	[sflag:s18] =	ssyncset.done $0x0  }
0x4d: {  	s30 =	simm.s32 $0x0;
	[sflag:s18] =	ssyncadd.s32 $0xFFFFC000  }
0x4e: {  	[spmem:s2] =	stream.indirect.scatter.add.f32 [tilespmem:s16], [sflag:$0x3], $0x80, s30, s15, $0xb8;
	[tilespmem:$0x1E800] =	vst v63  }
0x4f: {  	_ =	swait.ge [sflag:s13], $0x4000  }
0x50: {  	[sflag:s13] =	ssyncset.done $0x0  }
0x51: {  	[sflag:s13] =	ssyncadd.s32 $0xFFFFC000  }
0x52: {  	_ =	swait.ge [sflag:s19], $0x4000  }
0x53: {  	[sflag:s19] =	ssyncset.done $0x0  }
0x54: {  	s31 =	simm.s32 $0x80;
	[sflag:s19] =	ssyncadd.s32 $0xFFFFC000  }
0x55: {  	[spmem:s2] =	stream.indirect.scatter.add.f32 [tilespmem:s17], [sflag:$0x3], $0x80, s31, s15, $0xb8;
	[tilespmem:$0x1E800] =	vst v63  }
0x56: {  	_ =	swait.ge [sflag:s13], $0x4000  }
0x57: {  	s22 =	simm.s32 $0x800;
	s21 =	simm.s32 $0x100;
	[sflag:s13] =	ssyncset.done $0x0  }
.LBB2_4:
0x58: {  	s23 =	sadd.s32 $0x1400, s21  }
0x59: {  	[sflag:s13] =	ssyncadd.s32 $0xFFFFC000;
	s24 =	smov.u32 s22;
	s25 =	sadd.s32 $0x400, s22  }
0x5a: {  	[tilespmem:s16], [sflag:$0x1] =	stream.indirect.gather [hbm4b:s4+s15], $0x80, s23, s15, $0xb8;
	[tilespmem:$0x1E800] =	vst v63  }
0x5b: {  	p0 =	sne.s32 s22, $0x4C00;
	s22 =	sadd.s32 $0x1480, s21  }
0x5c: {  	[tilespmem:s17], [sflag:$0x2] =	stream.indirect.gather [hbm4b:s4+s15], $0x80, s22, s15, $0xb8;
	[tilespmem:$0x1E800] =	vst v63  }
0x5d: {  	_ =	swait.ge [sflag:s18], $0x4000  }
0x5e: {  	[sflag:s18] =	ssyncset.done $0x0  }
0x5f: {  	[sflag:s18] =	ssyncadd.s32 $0xFFFFC000  }
0x60: {  	[spmem:s2] =	stream.indirect.scatter.add.f32 [tilespmem:s16], [sflag:$0x3], $0x80, s21, s15, $0xb8;
	[tilespmem:$0x1E800] =	vst v63  }
0x61: {  	_ =	swait.ge [sflag:s13], $0x4000  }
0x62: {  	[sflag:s13] =	ssyncset.done $0x0  }
0x63: {  	[sflag:s13] =	ssyncadd.s32 $0xFFFFC000  }
0x64: {  	_ =	swait.ge [sflag:s19], $0x4000  }
.Ltmp1:
0x65: {  	[sflag:s19] =	ssyncset.done $0x0;
	(pc) =	sbr.rel @p0 .LBB2_4-.Ltmp1, $4  }
0x66: {  	s21 =	sadd.s32 $0x80, s21;
	[sflag:s19] =	ssyncadd.s32 $0xFFFFC000  }
0x67: {  	[spmem:s2] =	stream.indirect.scatter.add.f32 [tilespmem:s17], [sflag:$0x3], $0x80, s21, s15, $0xb8;
	[tilespmem:$0x1E800] =	vst v63  }
0x68: {  	_ =	swait.ge [sflag:s13], $0x4000  }
0x69: {  	s22 =	smov.u32 s25;
	s21 =	sshra.s32 s24, $0x2;
	[sflag:s13] =	ssyncset.done $0x0  }
0x6a: {  	s22 =	sadd.s32 $0x1400, s21;
	[sflag:s13] =	ssyncadd.s32 $0xFFFFC000  }
0x6b: {  	[tilespmem:s16], [sflag:$0x1] =	stream.indirect.gather [hbm4b:s4+s15], $0x80, s22, s15, $0xb8;
	[tilespmem:$0x1E800] =	vst v63  }
0x6c: {  	s30 =	sadd.s32 $0x1480, s21  }
0x6d: {  	[tilespmem:s17], [sflag:$0x2] =	stream.indirect.gather [hbm4b:s4+s15], $0x80, s30, s15, $0xb8;
	[tilespmem:$0x1E800] =	vst v63  }
0x6e: {  	_ =	swait.ge [sflag:s18], $0x4000  }
0x6f: {  	[sflag:s18] =	ssyncset.done $0x0  }
0x70: {  	[sflag:s18] =	ssyncadd.s32 $0xFFFFC000  }
0x71: {  	[spmem:s2] =	stream.indirect.scatter.add.f32 [tilespmem:s16], [sflag:$0x3], $0x80, s21, s15, $0xb8;
	[tilespmem:$0x1E800] =	vst v63  }
0x72: {  	_ =	swait.ge [sflag:s13], $0x4000  }
0x73: {  	[sflag:s13] =	ssyncset.done $0x0  }
0x74: {  	[sflag:s13] =	ssyncadd.s32 $0xFFFFC000  }
0x75: {  	_ =	swait.ge [sflag:s19], $0x4000  }
0x76: {  	[sflag:s19] =	ssyncset.done $0x0  }
0x77: {  	s31 =	sadd.s32 $0x80, s21;
	[sflag:s19] =	ssyncadd.s32 $0xFFFFC000  }
0x78: {  	[spmem:s2] =	stream.indirect.scatter.add.f32 [tilespmem:s17], [sflag:$0x3], $0x80, s31, s15, $0xb8;
	[tilespmem:$0x1E800] =	vst v63  }
0x79: {  	_ =	swait.ge [sflag:s13], $0x4000  }
0x7a: {  	s20 =	sadd.s32 $0x1, s20;
	[sflag:s13] =	ssyncset.done $0x0  }
0x7b: {  	p0 =	sne.s32 s20, s11;
	[sflag:s13] =	ssyncadd.s32 $0xFFFFC000  }
.Ltmp2:
0x7c: {  	[bflag:$0x0] =	sbarrier.arrive $0xFFFF;
	(pc) =	sbr.rel @p0 .LBB2_1-.Ltmp2, $4  }
0x7d: {  	[hbm:s10], [sflag:s6] =	dma.local [spmem:s12], $0x2800  }
0x7e: {  	_ =	swait.ge [sflag:s13], $0x2800  }
0x7f: {  	[sflag:s13] =	ssyncset.done $0x0  }
0x80: {  	[sflag:s13] =	ssyncadd.s32 $0xFFFFD800  }
0x81: {  	_ =	sfence.sel $0x180000  }
0x82: {  	[bflag:$0x0] =	sbarrier.arrive $0xFFFF  }
0x83: {  	p0 =	sne.s32 s0, $0x0;
	_ =	strace $0x90000047  }
0x84: {  	s0 =	sadd.s32 @!p0 $0x100000, s1;
	[bflag:$0x2] =	sbarrier.arrive $0xFFFF  }
0x85: {  	[sflag:s0] =	ssyncadd.tile.s32 @!p0 $0x1;
	_ =	shalt  }
.Lfunc_end2:
_tile_overlayer_lowered:
.L_overlay_start_2:
0x86: {  	(tag) =	ssettag $0x2  }
0x87: {  	s0 =	rddreg [dreg:$0x0];
	s2 =	stileid.u32  }
0x88: {  	s1 =	rddreg [dreg:$0x1];
	p0 =	sne.s32 s2, $0x0  }
0x89: {  	s3 =	rddreg [dreg:$0x2];
	[bflag:$0x3] =	sbarrier.arrive $0xFFFF;
	s2 =	simm.s32 @!p0 $0x1C03  }
0x8a: {  	[timem:s3], [sflag:s2] =	dma.local @!p0 [hbm:s0], s1  }
0x8b: {  	s0 =	simm.s32 @!p0 $0x3  }
0x8c: {  	_ =	swait.ge @!p0 [sflag:s0], s1  }
0x8d: {  	s1 =	ssub.s32 @!p0 $0x0, s1;
	[sflag:s0] =	ssyncset.done @!p0 $0x0  }
0x8e: {  	[sflag:s0] =	ssyncadd.s32 @!p0 s1  }
0x8f: {  	[bflag:$0x3] =	sbarrier.arrive $0xFFFF  }
0x90: {  	_ =	shalt  }

</sc_bundles>
